<compile_context>
chip_gen: v7x
topology: tpu7x:2x2x1
jax: 0.10.2.dev20260603
libtpu: 0.0.44.dev20260713+nightly
codegen_flags: <defaults>
</compile_context>

<pallas_src>
import functools

import jax
import jax.numpy as jnp
from jax import lax
from jax.experimental import pallas as pl
from jax.experimental.pallas import tpu as pltpu
from jax.experimental.pallas import tpu_sc as plsc

N = 10000
E = 320000
D = 128
DO = 64
DH = D // 2
DOH = DO // 2

NC = 2
NS = 16
NW = NC * NS

CH = 128
RW = 80
EPAD = NW * RW * CH
EROWS = EPAD // CH
EWT = EPAD // NS
BE = 640
GP = EWT // BE
NPAD = 10240
TPT = NPAD // NS
TRASH = NPAD - 1

_mesh = plsc.VectorSubcoreMesh(
    core_axis_name="c", subcore_axis_name="s", num_cores=NC, num_subcores=NS
)


@functools.partial(
    pl.kernel,
    out_type=jax.ShapeDtypeStruct((NC, NPAD, 8), jnp.float32),
    mesh=_mesh,
    scratch_types=[
        pltpu.VMEM((RW, CH), jnp.int32),
        pltpu.VMEM((CH, 8), jnp.float32),
        pltpu.MemorySpace.VMEM_SHARED((NPAD, 8), jnp.float32),
    ],
    compiler_params=pltpu.CompilerParams(use_tc_tiling_on_sc=False),
)
def _deg_kernel(dstp_hbm, ones_hbm, zrows_hbm, out_hbm, dst_v, ones_v, deg_sh):
    cid = lax.axis_index("c")
    sid = lax.axis_index("s")
    w = cid * NS + sid
    pltpu.sync_copy(dstp_hbm.at[pl.ds(w * RW, RW)], dst_v)
    pltpu.sync_copy(ones_hbm, ones_v)
    pltpu.sync_copy(zrows_hbm, deg_sh.at[pl.ds(sid * TPT, TPT)])
    plsc.subcore_barrier()

    def body(j, carry):
        pltpu.sync_copy(ones_v, deg_sh.at[dst_v.at[j]], add=True)
        return carry

    lax.fori_loop(0, RW, body, 0)
    plsc.subcore_barrier()
    pltpu.sync_copy(
        deg_sh.at[pl.ds(sid * TPT, TPT)], out_hbm.at[cid, pl.ds(sid * TPT, TPT)]
    )


def _make_spmm(wc, be):
    gp = EWT // be

    @functools.partial(
        pl.kernel,
        out_type=jax.ShapeDtypeStruct((NC, NPAD, wc), jnp.float32),
        mesh=_mesh,
        scratch_types=[
            pltpu.VMEM((EWT,), jnp.int32),
            pltpu.VMEM((EWT,), jnp.int32),
            pltpu.VMEM((be, wc), jnp.float32),
            pltpu.MemorySpace.VMEM_SHARED((NPAD, wc), jnp.float32),
        ],
        compiler_params=pltpu.CompilerParams(use_tc_tiling_on_sc=False),
    )
    def spmm(table_hbm, srcp_hbm, dstp_hbm, zrows_hbm, out_hbm,
             src_v, dst_v, buf, agg_sh):
        cid = lax.axis_index("c")
        sid = lax.axis_index("s")
        pltpu.sync_copy(srcp_hbm.at[pl.ds(sid * EWT, EWT)], src_v)
        pltpu.sync_copy(dstp_hbm.at[pl.ds(sid * EWT, EWT)], dst_v)
        pltpu.sync_copy(zrows_hbm, agg_sh.at[pl.ds(sid * TPT, TPT)])
        plsc.subcore_barrier()
        tab = table_hbm.at[cid]

        def body(g, carry):
            pltpu.sync_copy(tab.at[src_v.at[pl.ds(g * be, be)]], buf)
            pltpu.sync_copy(buf, agg_sh.at[dst_v.at[pl.ds(g * be, be)]],
                            add=True)
            return carry

        lax.fori_loop(0, gp, body, 0)
        plsc.subcore_barrier()
        pltpu.sync_copy(
            agg_sh.at[pl.ds(sid * TPT, TPT)], out_hbm.at[cid, pl.ds(sid * TPT, TPT)]
        )

    return spmm


_spmm_h = _make_spmm(DH, BE)
_spmm_q = _make_spmm(DOH, 2 * BE)


BR = 2048
GR = NPAD // BR


def _rowspec(width):
    return pl.BlockSpec((BR, width), lambda i: (i, 0))


def _halfspec(width):
    return pl.BlockSpec((NC, BR, width), lambda i: (0, i, 0))


def _fullspec(shape):
    return pl.BlockSpec(shape, lambda i: (0,) * len(shape))


def _tc_pre_body(x_ref, d0_ref, d1_ref, y_ref, n_ref):
    d = d0_ref[...] + d1_ref[...]
    nrm = jnp.where(d > 0, lax.rsqrt(jnp.maximum(d, 1.0)), 0.0)
    y = x_ref[...] * nrm
    y_ref[...] = jnp.stack([y[:, :DH], y[:, DH:]])
    n_ref[...] = nrm


_tc_pre = pl.pallas_call(
    _tc_pre_body,
    grid=(GR,),
    in_specs=[_rowspec(D), _rowspec(1), _rowspec(1)],
    out_specs=[_halfspec(DH), _rowspec(1)],
    out_shape=[
        jax.ShapeDtypeStruct((NC, NPAD, DH), jnp.float32),
        jax.ShapeDtypeStruct((NPAD, 1), jnp.float32),
    ],
)


def _tc_mid1_body(a_ref, n_ref, w_ref, b_ref, y_ref):
    nrm = n_ref[...]
    agg = jnp.concatenate([a_ref[0], a_ref[1]], axis=1) * nrm
    h = jnp.dot(agg, w_ref[...], preferred_element_type=jnp.float32) + b_ref[...]
    y = h * nrm
    y_ref[...] = jnp.stack([y[:, :DH], y[:, DH:]])


_tc_mid1 = pl.pallas_call(
    _tc_mid1_body,
    grid=(GR,),
    in_specs=[_halfspec(DH), _rowspec(1), _fullspec((D, D)), _fullspec((1, D))],
    out_specs=_halfspec(DH),
    out_shape=jax.ShapeDtypeStruct((NC, NPAD, DH), jnp.float32),
)


def _tc_mid2_body(a_ref, n_ref, w2_ref, b2_ref, w3_ref, y_ref):
    nrm = n_ref[...]
    agg = jnp.concatenate([a_ref[0], a_ref[1]], axis=1) * nrm
    h = jnp.dot(agg, w2_ref[...], preferred_element_type=jnp.float32) + b2_ref[...]
    y = jnp.dot(h * nrm, w3_ref[...], preferred_element_type=jnp.float32)
    y_ref[...] = jnp.stack([y[:, :DOH], y[:, DOH:]])


_tc_mid2 = pl.pallas_call(
    _tc_mid2_body,
    grid=(GR,),
    in_specs=[_halfspec(DH), _rowspec(1), _fullspec((D, D)), _fullspec((1, D)),
              _fullspec((D, DO))],
    out_specs=_halfspec(DOH),
    out_shape=jax.ShapeDtypeStruct((NC, NPAD, DOH), jnp.float32),
)


def _tc_post_body(a_ref, n_ref, b_ref, o_ref):
    h = jnp.concatenate([a_ref[0], a_ref[1]], axis=1) * n_ref[...] + b_ref[...]
    m = jnp.max(h, axis=1, keepdims=True)
    ex = jnp.exp(h - m)
    s = jnp.sum(ex, axis=1, keepdims=True)
    o_ref[...] = (h - m) - jnp.log(s)


_tc_post = pl.pallas_call(
    _tc_post_body,
    grid=(GR,),
    in_specs=[_halfspec(DOH), _rowspec(1), _fullspec((1, DO))],
    out_specs=_rowspec(DO),
    out_shape=jax.ShapeDtypeStruct((NPAD, DO), jnp.float32),
)


def kernel(features, edge_index, W1, b1, W2, b2, W3, b3):
    f32 = jnp.float32
    src = edge_index[0].astype(jnp.int32)
    dst = edge_index[1].astype(jnp.int32)
    srcp = jnp.concatenate([src, jnp.zeros((EPAD - E,), jnp.int32)])
    dstp = jnp.concatenate([dst, jnp.full((EPAD - E,), TRASH, jnp.int32)])
    dstp_deg = dstp.reshape(EROWS, CH)
    xpad = jnp.pad(features.astype(f32), ((0, NPAD - N), (0, 0)))
    ones8 = jnp.ones((CH, 8), f32)
    z8 = jnp.zeros((TPT, 8), f32)
    zh = jnp.zeros((TPT, DH), f32)
    zq = jnp.zeros((TPT, DOH), f32)

    deg = _deg_kernel(dstp_deg, ones8, z8)
    d0 = deg[0, :, 0:1]
    d1 = deg[1, :, 0:1]
    y0, nrm = _tc_pre(xpad, d0, d1)
    agg = _spmm_h(y0, srcp, dstp, zh)
    y1 = _tc_mid1(agg, nrm, W1, b1.reshape(1, D))
    agg = _spmm_h(y1, srcp, dstp, zh)
    y2 = _tc_mid2(agg, nrm, W2, b2.reshape(1, D), W3)
    agg = _spmm_q(y2, srcp, dstp, zq)
    out = _tc_post(agg, nrm, b3.reshape(1, DO))
    return out[:N]

# --- scband reference (transcript-rebuilt; emitter-appended) ---
"""Pipeline reference for scband-gcn-23716809408892 (READ-ONLY COPY).

The authoritative reference and input builder live on the scoring server;
editing this copy changes nothing except your own understanding.
"""

import jax, jax.numpy as jnp
import numpy as np

N = 10000
E = 320000
D_IN = 128
D_H = 128
D_OUT = 64


def setup_inputs(seed: int = 0) -> dict:
    key = jax.random.key(seed)
    ks = jax.random.split(key, 8)
    features = jax.random.normal(ks[0], (N, D_IN), dtype=jnp.float32)
    edge_index = jax.random.randint(ks[1], (2, E), 0, N, dtype=jnp.int32)
    W1 = jax.random.normal(ks[2], (D_IN, D_H), dtype=jnp.float32) / np.sqrt(D_IN)
    b1 = jnp.zeros((D_H,), dtype=jnp.float32)
    W2 = jax.random.normal(ks[3], (D_H, D_H), dtype=jnp.float32) / np.sqrt(D_H)
    b2 = jnp.zeros((D_H,), dtype=jnp.float32)
    W3 = jax.random.normal(ks[4], (D_H, D_OUT), dtype=jnp.float32) / np.sqrt(D_H)
    b3 = jnp.zeros((D_OUT,), dtype=jnp.float32)
    return {"features": features, "edge_index": edge_index, "W1": W1, "b1": b1, "W2": W2, "b2": b2, "W3": W3, "b3": b3}


def _gcn_layer(x, src, dst, W, b):
    # DGL GraphConv with norm='both', allow_zero_in_degree=True
    deg = jnp.zeros((N,), dtype=x.dtype).at[dst].add(1.0)
    norm = jnp.where(deg > 0, jax.lax.rsqrt(jnp.maximum(deg, 1.0)), 0.0)
    h = x * norm[:, None]
    m = jnp.take(h, src, axis=0)
    agg = jax.ops.segment_sum(m, dst, num_segments=N)
    agg = agg * norm[:, None]
    return agg @ W + b


def reference(features, edge_index, W1, b1, W2, b2, W3, b3):
    src = edge_index[0]
    dst = edge_index[1]
    h = _gcn_layer(features, src, dst, W1, b1)
    h = _gcn_layer(h, src, dst, W2, b2)
    h = _gcn_layer(h, src, dst, W3, b3)
    return jax.nn.log_softmax(h, axis=1)

if __name__ == "__main__":
    import jax
    _d = setup_inputs()
    print(jax.jit(kernel)(*tuple(_d.values())))

</pallas_src>

<mosaic_0001>
#map = affine_map<(d0, d1) -> (0, 0, 0)>
#map1 = affine_map<(d0, d1) -> (0)>
#map2 = affine_map<(d0, d1) -> (0, 0)>
module attributes {stable_mosaic.version = 14 : i64} {
  func.func @spmm(%arg0: i32, %arg1: i32, %arg2: memref<2x10240x64xf32, #tpu.memory_space<hbm>>, %arg3: memref<327680xi32, #tpu.memory_space<hbm>>, %arg4: memref<327680xi32, #tpu.memory_space<hbm>>, %arg5: memref<640x64xf32, #tpu.memory_space<hbm>>, %arg6: memref<2x10240x64xf32, #tpu.memory_space<hbm>>, %arg7: memref<20480xi32, #tpu.memory_space<vmem>>, %arg8: memref<20480xi32, #tpu.memory_space<vmem>>, %arg9: memref<640x64xf32, #tpu.memory_space<vmem>>, %arg10: memref<10240x64xf32, #tpu.memory_space<vmem_shared>>) attributes {dimension_semantics = [#tpu.dimension_semantics<core_parallel>, #tpu.dimension_semantics<subcore_parallel>], iteration_bounds = array<i64: 2, 16>, scalar_prefetch = 0 : i64, scratch_operands = 4 : i64, tpu.core_type = #tpu.core_type<sc_vector_subcore>, window_params = [{transform_indices = #map}, {transform_indices = #map1}, {transform_indices = #map1}, {transform_indices = #map2}, {transform_indices = #map}]} {
    %mul3A = arith.constant 20480 : i32
    %mul3A_0 = arith.muli %arg1, %mul3A : i32
    "tpu.region"() ({
      %run_scoped3A = tpu.sem_alloc : memref<!tpu.dma_semaphore, #tpu.memory_space<semaphore_mem>>
      %dma_start3A = tpu.memref_slice %arg3[%mul3A_0] : memref<327680xi32, #tpu.memory_space<hbm>> -> memref<20480xi32, #tpu.memory_space<hbm>>
      %dma_start3A_15 = tpu.memref_slice %arg3[%mul3A_0] : memref<327680xi32, #tpu.memory_space<hbm>> -> memref<20480xi32, #tpu.memory_space<hbm>>
      tpu.enqueue_dma source(%dma_start3A_15 : memref<20480xi32, #tpu.memory_space<hbm>>) target(%arg7 : memref<20480xi32, #tpu.memory_space<vmem>>) target_semaphore(%run_scoped3A : memref<!tpu.dma_semaphore, #tpu.memory_space<semaphore_mem>>)
      %dma_wait3A = tpu.memref_slice %arg3[%mul3A_0] : memref<327680xi32, #tpu.memory_space<hbm>> -> memref<20480xi32, #tpu.memory_space<hbm>>
      %dma_wait3A_16 = tpu.memref_slice %arg3[%mul3A_0] : memref<327680xi32, #tpu.memory_space<hbm>> -> memref<20480xi32, #tpu.memory_space<hbm>>
      tpu.wait_dma2 semaphore(%run_scoped3A : memref<!tpu.dma_semaphore, #tpu.memory_space<semaphore_mem>>) src(%dma_wait3A_16 : memref<20480xi32, #tpu.memory_space<hbm>>) dst(%arg7 : memref<20480xi32, #tpu.memory_space<vmem>>)
      tpu.yield
    }) : () -> ()
    %mul3A_1 = arith.constant 20480 : i32
    %mul3A_2 = arith.muli %arg1, %mul3A_1 : i32
    "tpu.region"() ({
      %run_scoped3A = tpu.sem_alloc : memref<!tpu.dma_semaphore, #tpu.memory_space<semaphore_mem>>
      %dma_start3A = tpu.memref_slice %arg4[%mul3A_2] : memref<327680xi32, #tpu.memory_space<hbm>> -> memref<20480xi32, #tpu.memory_space<hbm>>
      %dma_start3A_15 = tpu.memref_slice %arg4[%mul3A_2] : memref<327680xi32, #tpu.memory_space<hbm>> -> memref<20480xi32, #tpu.memory_space<hbm>>
      tpu.enqueue_dma source(%dma_start3A_15 : memref<20480xi32, #tpu.memory_space<hbm>>) target(%arg8 : memref<20480xi32, #tpu.memory_space<vmem>>) target_semaphore(%run_scoped3A : memref<!tpu.dma_semaphore, #tpu.memory_space<semaphore_mem>>)
      %dma_wait3A = tpu.memref_slice %arg4[%mul3A_2] : memref<327680xi32, #tpu.memory_space<hbm>> -> memref<20480xi32, #tpu.memory_space<hbm>>
      %dma_wait3A_16 = tpu.memref_slice %arg4[%mul3A_2] : memref<327680xi32, #tpu.memory_space<hbm>> -> memref<20480xi32, #tpu.memory_space<hbm>>
      tpu.wait_dma2 semaphore(%run_scoped3A : memref<!tpu.dma_semaphore, #tpu.memory_space<semaphore_mem>>) src(%dma_wait3A_16 : memref<20480xi32, #tpu.memory_space<hbm>>) dst(%arg8 : memref<20480xi32, #tpu.memory_space<vmem>>)
      tpu.yield
    }) : () -> ()
    %mul3A_3 = arith.constant 640 : i32
    %mul3A_4 = arith.muli %arg1, %mul3A_3 : i32
    "tpu.region"() ({
      %run_scoped3A = tpu.sem_alloc : memref<!tpu.dma_semaphore, #tpu.memory_space<semaphore_mem>>
      %dma_start3A = arith.constant 0 : i32
      %dma_start3A_15 = tpu.memref_slice %arg10[%mul3A_4, %dma_start3A] : memref<10240x64xf32, #tpu.memory_space<vmem_shared>> -> memref<640x64xf32, #tpu.memory_space<vmem_shared>>
      tpu.enqueue_dma source(%arg5 : memref<640x64xf32, #tpu.memory_space<hbm>>) target(%dma_start3A_15 : memref<640x64xf32, #tpu.memory_space<vmem_shared>>) target_semaphore(%run_scoped3A : memref<!tpu.dma_semaphore, #tpu.memory_space<semaphore_mem>>)
      %dma_wait3A = arith.constant 0 : i32
      %dma_wait3A_16 = tpu.memref_slice %arg10[%mul3A_4, %dma_wait3A] : memref<10240x64xf32, #tpu.memory_space<vmem_shared>> -> memref<640x64xf32, #tpu.memory_space<vmem_shared>>
      tpu.wait_dma2 semaphore(%run_scoped3A : memref<!tpu.dma_semaphore, #tpu.memory_space<semaphore_mem>>) src(%arg5 : memref<640x64xf32, #tpu.memory_space<hbm>>) dst(%dma_wait3A_16 : memref<640x64xf32, #tpu.memory_space<vmem_shared>>)
      tpu.yield
    }) : () -> ()
    %barrier3A = arith.constant 0 : index
    tpu.barrier barrier_id(%barrier3A)
    %scan3A = arith.constant 0 : i32
    %scan3A_5 = arith.constant 0 : i32
    %scan3A_6 = arith.constant 32 : i32
    %scan3A_7 = arith.addi %scan3A_5, %scan3A_6 : i32
    %scan3A_8 = arith.constant 1 : i32
    scf.for %scan3A_15 = %scan3A_5 to %scan3A_7 step %scan3A_8  : i32 {
      %mul3A_16 = arith.constant 640 : i32
      %mul3A_17 = arith.muli %scan3A_15, %mul3A_16 : i32
      "tpu.region"() ({
        %run_scoped3A = tpu.sem_alloc : memref<!tpu.dma_semaphore, #tpu.memory_space<semaphore_mem>>
        %dma_start3A = tpu.memref_slice %arg7[%mul3A_17] : memref<20480xi32, #tpu.memory_space<vmem>> -> memref<640xi32, #tpu.memory_space<vmem>>
        %dma_start3A_20 = arith.constant 0 : i32
        %dma_start3A_21 = arith.constant 0 : i32
        %dma_start3A_22 = tpu.memref_slice %arg2[%arg0, %dma_start3A_20, %dma_start3A_21] : memref<2x10240x64xf32, #tpu.memory_space<hbm>> -> memref<1x10240x64xf32, #tpu.memory_space<hbm>>
        %dma_start3A_23 = tpu.memref_squeeze %dma_start3A_22 : memref<1x10240x64xf32, #tpu.memory_space<hbm>> -> memref<10240x64xf32, #tpu.memory_space<hbm>>
        %dma_start3A_24 = arith.constant 0 : i32
        %dma_start3A_25 = arith.constant 0 : i32
        %dma_start3A_26 = tpu.memref_slice %dma_start3A_23[%dma_start3A_24, %dma_start3A_25] : memref<10240x64xf32, #tpu.memory_space<hbm>> -> memref<10240x64xf32, #tpu.memory_space<hbm>>
        tpu.enqueue_indirect_dma source(%dma_start3A_26 : memref<10240x64xf32, #tpu.memory_space<hbm>>) target(%arg9 : memref<640x64xf32, #tpu.memory_space<vmem>>) offsets(%dma_start3A : memref<640xi32, #tpu.memory_space<vmem>>) semaphore(%run_scoped3A : memref<!tpu.dma_semaphore, #tpu.memory_space<semaphore_mem>>)
        %dma_wait3A = tpu.memref_slice %arg7[%mul3A_17] : memref<20480xi32, #tpu.memory_space<vmem>> -> memref<640xi32, #tpu.memory_space<vmem>>
        %dma_wait3A_27 = arith.constant 0 : i32
        %dma_wait3A_28 = arith.constant 0 : i32
        %dma_wait3A_29 = tpu.memref_slice %arg2[%arg0, %dma_wait3A_27, %dma_wait3A_28] : memref<2x10240x64xf32, #tpu.memory_space<hbm>> -> memref<1x10240x64xf32, #tpu.memory_space<hbm>>
        %dma_wait3A_30 = tpu.memref_squeeze %dma_wait3A_29 : memref<1x10240x64xf32, #tpu.memory_space<hbm>> -> memref<10240x64xf32, #tpu.memory_space<hbm>>
        %dma_wait3A_31 = arith.constant 0 : i32
        %dma_wait3A_32 = arith.constant 0 : i32
        %dma_wait3A_33 = tpu.memref_slice %dma_wait3A_30[%dma_wait3A_31, %dma_wait3A_32] : memref<10240x64xf32, #tpu.memory_space<hbm>> -> memref<10240x64xf32, #tpu.memory_space<hbm>>
        tpu.wait_indirect_dma semaphore(%run_scoped3A : memref<!tpu.dma_semaphore, #tpu.memory_space<semaphore_mem>>) src(%dma_wait3A_33 : memref<10240x64xf32, #tpu.memory_space<hbm>>) dst(%arg9 : memref<640x64xf32, #tpu.memory_space<vmem>>)
        tpu.yield
      }) : () -> ()
      %mul3A_18 = arith.constant 640 : i32
      %mul3A_19 = arith.muli %scan3A_15, %mul3A_18 : i32
      "tpu.region"() ({
        %run_scoped3A = tpu.sem_alloc : memref<!tpu.dma_semaphore, #tpu.memory_space<semaphore_mem>>
        %dma_start3A = tpu.memref_slice %arg8[%mul3A_19] : memref<20480xi32, #tpu.memory_space<vmem>> -> memref<640xi32, #tpu.memory_space<vmem>>
        %dma_start3A_20 = arith.constant 0 : i32
        %dma_start3A_21 = arith.constant 0 : i32
        %dma_start3A_22 = tpu.memref_slice %arg10[%dma_start3A_20, %dma_start3A_21] : memref<10240x64xf32, #tpu.memory_space<vmem_shared>> -> memref<10240x64xf32, #tpu.memory_space<vmem_shared>>
        tpu.enqueue_indirect_dma source(%arg9 : memref<640x64xf32, #tpu.memory_space<vmem>>) target(%dma_start3A_22 : memref<10240x64xf32, #tpu.memory_space<vmem_shared>>) offsets(%dma_start3A : memref<640xi32, #tpu.memory_space<vmem>>) semaphore(%run_scoped3A : memref<!tpu.dma_semaphore, #tpu.memory_space<semaphore_mem>>) {add = true}
        %dma_wait3A = tpu.memref_slice %arg8[%mul3A_19] : memref<20480xi32, #tpu.memory_space<vmem>> -> memref<640xi32, #tpu.memory_space<vmem>>
        %dma_wait3A_23 = arith.constant 0 : i32
        %dma_wait3A_24 = arith.constant 0 : i32
        %dma_wait3A_25 = tpu.memref_slice %arg10[%dma_wait3A_23, %dma_wait3A_24] : memref<10240x64xf32, #tpu.memory_space<vmem_shared>> -> memref<10240x64xf32, #tpu.memory_space<vmem_shared>>
        tpu.wait_indirect_dma semaphore(%run_scoped3A : memref<!tpu.dma_semaphore, #tpu.memory_space<semaphore_mem>>) src(%arg9 : memref<640x64xf32, #tpu.memory_space<vmem>>) dst(%dma_wait3A_25 : memref<10240x64xf32, #tpu.memory_space<vmem_shared>>)
        tpu.yield
      }) : () -> ()
    }
    %scan3A_9 = arith.constant 32 : i32
    %barrier3A_10 = arith.constant 0 : index
    tpu.barrier barrier_id(%barrier3A_10)
    %mul3A_11 = arith.constant 640 : i32
    %mul3A_12 = arith.muli %arg1, %mul3A_11 : i32
    %mul3A_13 = arith.constant 640 : i32
    %mul3A_14 = arith.muli %arg1, %mul3A_13 : i32
    "tpu.region"() ({
      %run_scoped3A = tpu.sem_alloc : memref<!tpu.dma_semaphore, #tpu.memory_space<semaphore_mem>>
      %dma_start3A = arith.constant 0 : i32
      %dma_start3A_15 = tpu.memref_slice %arg6[%arg0, %mul3A_14, %dma_start3A] : memref<2x10240x64xf32, #tpu.memory_space<hbm>> -> memref<1x640x64xf32, #tpu.memory_space<hbm>>
      %dma_start3A_16 = tpu.memref_squeeze %dma_start3A_15 : memref<1x640x64xf32, #tpu.memory_space<hbm>> -> memref<640x64xf32, #tpu.memory_space<hbm>>
      %dma_start3A_17 = arith.constant 0 : i32
      %dma_start3A_18 = tpu.memref_slice %arg10[%mul3A_12, %dma_start3A_17] : memref<10240x64xf32, #tpu.memory_space<vmem_shared>> -> memref<640x64xf32, #tpu.memory_space<vmem_shared>>
      tpu.enqueue_dma source(%dma_start3A_18 : memref<640x64xf32, #tpu.memory_space<vmem_shared>>) target(%dma_start3A_16 : memref<640x64xf32, #tpu.memory_space<hbm>>) target_semaphore(%run_scoped3A : memref<!tpu.dma_semaphore, #tpu.memory_space<semaphore_mem>>)
      %dma_wait3A = arith.constant 0 : i32
      %dma_wait3A_19 = tpu.memref_slice %arg6[%arg0, %mul3A_14, %dma_wait3A] : memref<2x10240x64xf32, #tpu.memory_space<hbm>> -> memref<1x640x64xf32, #tpu.memory_space<hbm>>
      %dma_wait3A_20 = tpu.memref_squeeze %dma_wait3A_19 : memref<1x640x64xf32, #tpu.memory_space<hbm>> -> memref<640x64xf32, #tpu.memory_space<hbm>>
      %dma_wait3A_21 = arith.constant 0 : i32
      %dma_wait3A_22 = tpu.memref_slice %arg10[%mul3A_12, %dma_wait3A_21] : memref<10240x64xf32, #tpu.memory_space<vmem_shared>> -> memref<640x64xf32, #tpu.memory_space<vmem_shared>>
      tpu.wait_dma2 semaphore(%run_scoped3A : memref<!tpu.dma_semaphore, #tpu.memory_space<semaphore_mem>>) src(%dma_wait3A_22 : memref<640x64xf32, #tpu.memory_space<vmem_shared>>) dst(%dma_wait3A_20 : memref<640x64xf32, #tpu.memory_space<hbm>>)
      tpu.yield
    }) : () -> ()
    return
  }
}

#map = affine_map<(d0, d1) -> (0, 0)>
#map1 = affine_map<(d0, d1) -> (0, 0, 0)>
module attributes {stable_mosaic.version = 14 : i64} {
  func.func @_deg_kernel(%arg0: i32, %arg1: i32, %arg2: memref<2560x128xi32, #tpu.memory_space<hbm>>, %arg3: memref<128x8xf32, #tpu.memory_space<hbm>>, %arg4: memref<640x8xf32, #tpu.memory_space<hbm>>, %arg5: memref<2x10240x8xf32, #tpu.memory_space<hbm>>, %arg6: memref<80x128xi32, #tpu.memory_space<vmem>>, %arg7: memref<128x8xf32, #tpu.memory_space<vmem>>, %arg8: memref<10240x8xf32, #tpu.memory_space<vmem_shared>>) attributes {dimension_semantics = [#tpu.dimension_semantics<core_parallel>, #tpu.dimension_semantics<subcore_parallel>], iteration_bounds = array<i64: 2, 16>, scalar_prefetch = 0 : i64, scratch_operands = 3 : i64, tpu.core_type = #tpu.core_type<sc_vector_subcore>, window_params = [{transform_indices = #map}, {transform_indices = #map}, {transform_indices = #map}, {transform_indices = #map1}]} {
    %mul3A = arith.constant 16 : i32
    %mul3A_0 = arith.muli %arg0, %mul3A : i32
    %add3A = arith.addi %mul3A_0, %arg1 : i32
    %mul3A_1 = arith.constant 80 : i32
    %mul3A_2 = arith.muli %add3A, %mul3A_1 : i32
    "tpu.region"() ({
      %run_scoped3A = tpu.sem_alloc : memref<!tpu.dma_semaphore, #tpu.memory_space<semaphore_mem>>
      %dma_start3A = arith.constant 0 : i32
      %dma_start3A_15 = tpu.memref_slice %arg2[%mul3A_2, %dma_start3A] : memref<2560x128xi32, #tpu.memory_space<hbm>> -> memref<80x128xi32, #tpu.memory_space<hbm>>
      %dma_start3A_16 = arith.constant 0 : i32
      %dma_start3A_17 = tpu.memref_slice %arg2[%mul3A_2, %dma_start3A_16] : memref<2560x128xi32, #tpu.memory_space<hbm>> -> memref<80x128xi32, #tpu.memory_space<hbm>>
      tpu.enqueue_dma source(%dma_start3A_17 : memref<80x128xi32, #tpu.memory_space<hbm>>) target(%arg6 : memref<80x128xi32, #tpu.memory_space<vmem>>) target_semaphore(%run_scoped3A : memref<!tpu.dma_semaphore, #tpu.memory_space<semaphore_mem>>)
      %dma_wait3A = arith.constant 0 : i32
      %dma_wait3A_18 = tpu.memref_slice %arg2[%mul3A_2, %dma_wait3A] : memref<2560x128xi32, #tpu.memory_space<hbm>> -> memref<80x128xi32, #tpu.memory_space<hbm>>
      %dma_wait3A_19 = arith.constant 0 : i32
      %dma_wait3A_20 = tpu.memref_slice %arg2[%mul3A_2, %dma_wait3A_19] : memref<2560x128xi32, #tpu.memory_space<hbm>> -> memref<80x128xi32, #tpu.memory_space<hbm>>
      tpu.wait_dma2 semaphore(%run_scoped3A : memref<!tpu.dma_semaphore, #tpu.memory_space<semaphore_mem>>) src(%dma_wait3A_20 : memref<80x128xi32, #tpu.memory_space<hbm>>) dst(%arg6 : memref<80x128xi32, #tpu.memory_space<vmem>>)
      tpu.yield
    }) : () -> ()
    "tpu.region"() ({
      %run_scoped3A = tpu.sem_alloc : memref<!tpu.dma_semaphore, #tpu.memory_space<semaphore_mem>>
      tpu.enqueue_dma source(%arg3 : memref<128x8xf32, #tpu.memory_space<hbm>>) target(%arg7 : memref<128x8xf32, #tpu.memory_space<vmem>>) target_semaphore(%run_scoped3A : memref<!tpu.dma_semaphore, #tpu.memory_space<semaphore_mem>>)
      tpu.wait_dma2 semaphore(%run_scoped3A : memref<!tpu.dma_semaphore, #tpu.memory_space<semaphore_mem>>) src(%arg3 : memref<128x8xf32, #tpu.memory_space<hbm>>) dst(%arg7 : memref<128x8xf32, #tpu.memory_space<vmem>>)
      tpu.yield
    }) : () -> ()
    %mul3A_3 = arith.constant 640 : i32
    %mul3A_4 = arith.muli %arg1, %mul3A_3 : i32
    "tpu.region"() ({
      %run_scoped3A = tpu.sem_alloc : memref<!tpu.dma_semaphore, #tpu.memory_space<semaphore_mem>>
      %dma_start3A = arith.constant 0 : i32
      %dma_start3A_15 = tpu.memref_slice %arg8[%mul3A_4, %dma_start3A] : memref<10240x8xf32, #tpu.memory_space<vmem_shared>> -> memref<640x8xf32, #tpu.memory_space<vmem_shared>>
      tpu.enqueue_dma source(%arg4 : memref<640x8xf32, #tpu.memory_space<hbm>>) target(%dma_start3A_15 : memref<640x8xf32, #tpu.memory_space<vmem_shared>>) target_semaphore(%run_scoped3A : memref<!tpu.dma_semaphore, #tpu.memory_space<semaphore_mem>>)
      %dma_wait3A = arith.constant 0 : i32
      %dma_wait3A_16 = tpu.memref_slice %arg8[%mul3A_4, %dma_wait3A] : memref<10240x8xf32, #tpu.memory_space<vmem_shared>> -> memref<640x8xf32, #tpu.memory_space<vmem_shared>>
      tpu.wait_dma2 semaphore(%run_scoped3A : memref<!tpu.dma_semaphore, #tpu.memory_space<semaphore_mem>>) src(%arg4 : memref<640x8xf32, #tpu.memory_space<hbm>>) dst(%dma_wait3A_16 : memref<640x8xf32, #tpu.memory_space<vmem_shared>>)
      tpu.yield
    }) : () -> ()
    %barrier3A = arith.constant 0 : index
    tpu.barrier barrier_id(%barrier3A)
    %scan3A = arith.constant 0 : i32
    %scan3A_5 = arith.constant 0 : i32
    %scan3A_6 = arith.constant 80 : i32
    %scan3A_7 = arith.addi %scan3A_5, %scan3A_6 : i32
    %scan3A_8 = arith.constant 1 : i32
    scf.for %scan3A_15 = %scan3A_5 to %scan3A_7 step %scan3A_8  : i32 {
      "tpu.region"() ({
        %run_scoped3A = tpu.sem_alloc : memref<!tpu.dma_semaphore, #tpu.memory_space<semaphore_mem>>
        %dma_start3A = arith.constant 0 : i32
        %dma_start3A_16 = tpu.memref_slice %arg6[%scan3A_15, %dma_start3A] : memref<80x128xi32, #tpu.memory_space<vmem>> -> memref<1x128xi32, #tpu.memory_space<vmem>>
        %dma_start3A_17 = tpu.memref_squeeze %dma_start3A_16 : memref<1x128xi32, #tpu.memory_space<vmem>> -> memref<128xi32, #tpu.memory_space<vmem>>
        %dma_start3A_18 = arith.constant 0 : i32
        %dma_start3A_19 = arith.constant 0 : i32
        %dma_start3A_20 = tpu.memref_slice %arg8[%dma_start3A_18, %dma_start3A_19] : memref<10240x8xf32, #tpu.memory_space<vmem_shared>> -> memref<10240x8xf32, #tpu.memory_space<vmem_shared>>
        tpu.enqueue_indirect_dma source(%arg7 : memref<128x8xf32, #tpu.memory_space<vmem>>) target(%dma_start3A_20 : memref<10240x8xf32, #tpu.memory_space<vmem_shared>>) offsets(%dma_start3A_17 : memref<128xi32, #tpu.memory_space<vmem>>) semaphore(%run_scoped3A : memref<!tpu.dma_semaphore, #tpu.memory_space<semaphore_mem>>) {add = true}
        %dma_wait3A = arith.constant 0 : i32
        %dma_wait3A_21 = tpu.memref_slice %arg6[%scan3A_15, %dma_wait3A] : memref<80x128xi32, #tpu.memory_space<vmem>> -> memref<1x128xi32, #tpu.memory_space<vmem>>
        %dma_wait3A_22 = tpu.memref_squeeze %dma_wait3A_21 : memref<1x128xi32, #tpu.memory_space<vmem>> -> memref<128xi32, #tpu.memory_space<vmem>>
        %dma_wait3A_23 = arith.constant 0 : i32
        %dma_wait3A_24 = arith.constant 0 : i32
        %dma_wait3A_25 = tpu.memref_slice %arg8[%dma_wait3A_23, %dma_wait3A_24] : memref<10240x8xf32, #tpu.memory_space<vmem_shared>> -> memref<10240x8xf32, #tpu.memory_space<vmem_shared>>
        tpu.wait_indirect_dma semaphore(%run_scoped3A : memref<!tpu.dma_semaphore, #tpu.memory_space<semaphore_mem>>) src(%arg7 : memref<128x8xf32, #tpu.memory_space<vmem>>) dst(%dma_wait3A_25 : memref<10240x8xf32, #tpu.memory_space<vmem_shared>>)
        tpu.yield
      }) : () -> ()
    }
    %scan3A_9 = arith.constant 80 : i32
    %barrier3A_10 = arith.constant 0 : index
    tpu.barrier barrier_id(%barrier3A_10)
    %mul3A_11 = arith.constant 640 : i32
    %mul3A_12 = arith.muli %arg1, %mul3A_11 : i32
    %mul3A_13 = arith.constant 640 : i32
    %mul3A_14 = arith.muli %arg1, %mul3A_13 : i32
    "tpu.region"() ({
      %run_scoped3A = tpu.sem_alloc : memref<!tpu.dma_semaphore, #tpu.memory_space<semaphore_mem>>
      %dma_start3A = arith.constant 0 : i32
      %dma_start3A_15 = tpu.memref_slice %arg5[%arg0, %mul3A_14, %dma_start3A] : memref<2x10240x8xf32, #tpu.memory_space<hbm>> -> memref<1x640x8xf32, #tpu.memory_space<hbm>>
      %dma_start3A_16 = tpu.memref_squeeze %dma_start3A_15 : memref<1x640x8xf32, #tpu.memory_space<hbm>> -> memref<640x8xf32, #tpu.memory_space<hbm>>
      %dma_start3A_17 = arith.constant 0 : i32
      %dma_start3A_18 = tpu.memref_slice %arg8[%mul3A_12, %dma_start3A_17] : memref<10240x8xf32, #tpu.memory_space<vmem_shared>> -> memref<640x8xf32, #tpu.memory_space<vmem_shared>>
      tpu.enqueue_dma source(%dma_start3A_18 : memref<640x8xf32, #tpu.memory_space<vmem_shared>>) target(%dma_start3A_16 : memref<640x8xf32, #tpu.memory_space<hbm>>) target_semaphore(%run_scoped3A : memref<!tpu.dma_semaphore, #tpu.memory_space<semaphore_mem>>)
      %dma_wait3A = arith.constant 0 : i32
      %dma_wait3A_19 = tpu.memref_slice %arg5[%arg0, %mul3A_14, %dma_wait3A] : memref<2x10240x8xf32, #tpu.memory_space<hbm>> -> memref<1x640x8xf32, #tpu.memory_space<hbm>>
      %dma_wait3A_20 = tpu.memref_squeeze %dma_wait3A_19 : memref<1x640x8xf32, #tpu.memory_space<hbm>> -> memref<640x8xf32, #tpu.memory_space<hbm>>
      %dma_wait3A_21 = arith.constant 0 : i32
      %dma_wait3A_22 = tpu.memref_slice %arg8[%mul3A_12, %dma_wait3A_21] : memref<10240x8xf32, #tpu.memory_space<vmem_shared>> -> memref<640x8xf32, #tpu.memory_space<vmem_shared>>
      tpu.wait_dma2 semaphore(%run_scoped3A : memref<!tpu.dma_semaphore, #tpu.memory_space<semaphore_mem>>) src(%dma_wait3A_22 : memref<640x8xf32, #tpu.memory_space<vmem_shared>>) dst(%dma_wait3A_20 : memref<640x8xf32, #tpu.memory_space<hbm>>)
      tpu.yield
    }) : () -> ()
    return
  }
}

#map = affine_map<(d0, d1) -> (0, 0, 0)>
#map1 = affine_map<(d0, d1) -> (0)>
#map2 = affine_map<(d0, d1) -> (0, 0)>
module attributes {stable_mosaic.version = 14 : i64} {
  func.func @spmm(%arg0: i32, %arg1: i32, %arg2: memref<2x10240x32xf32, #tpu.memory_space<hbm>>, %arg3: memref<327680xi32, #tpu.memory_space<hbm>>, %arg4: memref<327680xi32, #tpu.memory_space<hbm>>, %arg5: memref<640x32xf32, #tpu.memory_space<hbm>>, %arg6: memref<2x10240x32xf32, #tpu.memory_space<hbm>>, %arg7: memref<20480xi32, #tpu.memory_space<vmem>>, %arg8: memref<20480xi32, #tpu.memory_space<vmem>>, %arg9: memref<1280x32xf32, #tpu.memory_space<vmem>>, %arg10: memref<10240x32xf32, #tpu.memory_space<vmem_shared>>) attributes {dimension_semantics = [#tpu.dimension_semantics<core_parallel>, #tpu.dimension_semantics<subcore_parallel>], iteration_bounds = array<i64: 2, 16>, scalar_prefetch = 0 : i64, scratch_operands = 4 : i64, tpu.core_type = #tpu.core_type<sc_vector_subcore>, window_params = [{transform_indices = #map}, {transform_indices = #map1}, {transform_indices = #map1}, {transform_indices = #map2}, {transform_indices = #map}]} {
    %mul3A = arith.constant 20480 : i32
    %mul3A_0 = arith.muli %arg1, %mul3A : i32
    "tpu.region"() ({
      %run_scoped3A = tpu.sem_alloc : memref<!tpu.dma_semaphore, #tpu.memory_space<semaphore_mem>>
      %dma_start3A = tpu.memref_slice %arg3[%mul3A_0] : memref<327680xi32, #tpu.memory_space<hbm>> -> memref<20480xi32, #tpu.memory_space<hbm>>
      %dma_start3A_15 = tpu.memref_slice %arg3[%mul3A_0] : memref<327680xi32, #tpu.memory_space<hbm>> -> memref<20480xi32, #tpu.memory_space<hbm>>
      tpu.enqueue_dma source(%dma_start3A_15 : memref<20480xi32, #tpu.memory_space<hbm>>) target(%arg7 : memref<20480xi32, #tpu.memory_space<vmem>>) target_semaphore(%run_scoped3A : memref<!tpu.dma_semaphore, #tpu.memory_space<semaphore_mem>>)
      %dma_wait3A = tpu.memref_slice %arg3[%mul3A_0] : memref<327680xi32, #tpu.memory_space<hbm>> -> memref<20480xi32, #tpu.memory_space<hbm>>
      %dma_wait3A_16 = tpu.memref_slice %arg3[%mul3A_0] : memref<327680xi32, #tpu.memory_space<hbm>> -> memref<20480xi32, #tpu.memory_space<hbm>>
      tpu.wait_dma2 semaphore(%run_scoped3A : memref<!tpu.dma_semaphore, #tpu.memory_space<semaphore_mem>>) src(%dma_wait3A_16 : memref<20480xi32, #tpu.memory_space<hbm>>) dst(%arg7 : memref<20480xi32, #tpu.memory_space<vmem>>)
      tpu.yield
    }) : () -> ()
    %mul3A_1 = arith.constant 20480 : i32
    %mul3A_2 = arith.muli %arg1, %mul3A_1 : i32
    "tpu.region"() ({
      %run_scoped3A = tpu.sem_alloc : memref<!tpu.dma_semaphore, #tpu.memory_space<semaphore_mem>>
      %dma_start3A = tpu.memref_slice %arg4[%mul3A_2] : memref<327680xi32, #tpu.memory_space<hbm>> -> memref<20480xi32, #tpu.memory_space<hbm>>
      %dma_start3A_15 = tpu.memref_slice %arg4[%mul3A_2] : memref<327680xi32, #tpu.memory_space<hbm>> -> memref<20480xi32, #tpu.memory_space<hbm>>
      tpu.enqueue_dma source(%dma_start3A_15 : memref<20480xi32, #tpu.memory_space<hbm>>) target(%arg8 : memref<20480xi32, #tpu.memory_space<vmem>>) target_semaphore(%run_scoped3A : memref<!tpu.dma_semaphore, #tpu.memory_space<semaphore_mem>>)
      %dma_wait3A = tpu.memref_slice %arg4[%mul3A_2] : memref<327680xi32, #tpu.memory_space<hbm>> -> memref<20480xi32, #tpu.memory_space<hbm>>
      %dma_wait3A_16 = tpu.memref_slice %arg4[%mul3A_2] : memref<327680xi32, #tpu.memory_space<hbm>> -> memref<20480xi32, #tpu.memory_space<hbm>>
      tpu.wait_dma2 semaphore(%run_scoped3A : memref<!tpu.dma_semaphore, #tpu.memory_space<semaphore_mem>>) src(%dma_wait3A_16 : memref<20480xi32, #tpu.memory_space<hbm>>) dst(%arg8 : memref<20480xi32, #tpu.memory_space<vmem>>)
      tpu.yield
    }) : () -> ()
    %mul3A_3 = arith.constant 640 : i32
    %mul3A_4 = arith.muli %arg1, %mul3A_3 : i32
    "tpu.region"() ({
      %run_scoped3A = tpu.sem_alloc : memref<!tpu.dma_semaphore, #tpu.memory_space<semaphore_mem>>
      %dma_start3A = arith.constant 0 : i32
      %dma_start3A_15 = tpu.memref_slice %arg10[%mul3A_4, %dma_start3A] : memref<10240x32xf32, #tpu.memory_space<vmem_shared>> -> memref<640x32xf32, #tpu.memory_space<vmem_shared>>
      tpu.enqueue_dma source(%arg5 : memref<640x32xf32, #tpu.memory_space<hbm>>) target(%dma_start3A_15 : memref<640x32xf32, #tpu.memory_space<vmem_shared>>) target_semaphore(%run_scoped3A : memref<!tpu.dma_semaphore, #tpu.memory_space<semaphore_mem>>)
      %dma_wait3A = arith.constant 0 : i32
      %dma_wait3A_16 = tpu.memref_slice %arg10[%mul3A_4, %dma_wait3A] : memref<10240x32xf32, #tpu.memory_space<vmem_shared>> -> memref<640x32xf32, #tpu.memory_space<vmem_shared>>
      tpu.wait_dma2 semaphore(%run_scoped3A : memref<!tpu.dma_semaphore, #tpu.memory_space<semaphore_mem>>) src(%arg5 : memref<640x32xf32, #tpu.memory_space<hbm>>) dst(%dma_wait3A_16 : memref<640x32xf32, #tpu.memory_space<vmem_shared>>)
      tpu.yield
    }) : () -> ()
    %barrier3A = arith.constant 0 : index
    tpu.barrier barrier_id(%barrier3A)
    %scan3A = arith.constant 0 : i32
    %scan3A_5 = arith.constant 0 : i32
    %scan3A_6 = arith.constant 16 : i32
    %scan3A_7 = arith.addi %scan3A_5, %scan3A_6 : i32
    %scan3A_8 = arith.constant 1 : i32
    scf.for %scan3A_15 = %scan3A_5 to %scan3A_7 step %scan3A_8  : i32 {
      %mul3A_16 = arith.constant 1280 : i32
      %mul3A_17 = arith.muli %scan3A_15, %mul3A_16 : i32
      "tpu.region"() ({
        %run_scoped3A = tpu.sem_alloc : memref<!tpu.dma_semaphore, #tpu.memory_space<semaphore_mem>>
        %dma_start3A = tpu.memref_slice %arg7[%mul3A_17] : memref<20480xi32, #tpu.memory_space<vmem>> -> memref<1280xi32, #tpu.memory_space<vmem>>
        %dma_start3A_20 = arith.constant 0 : i32
        %dma_start3A_21 = arith.constant 0 : i32
        %dma_start3A_22 = tpu.memref_slice %arg2[%arg0, %dma_start3A_20, %dma_start3A_21] : memref<2x10240x32xf32, #tpu.memory_space<hbm>> -> memref<1x10240x32xf32, #tpu.memory_space<hbm>>
        %dma_start3A_23 = tpu.memref_squeeze %dma_start3A_22 : memref<1x10240x32xf32, #tpu.memory_space<hbm>> -> memref<10240x32xf32, #tpu.memory_space<hbm>>
        %dma_start3A_24 = arith.constant 0 : i32
        %dma_start3A_25 = arith.constant 0 : i32
        %dma_start3A_26 = tpu.memref_slice %dma_start3A_23[%dma_start3A_24, %dma_start3A_25] : memref<10240x32xf32, #tpu.memory_space<hbm>> -> memref<10240x32xf32, #tpu.memory_space<hbm>>
        tpu.enqueue_indirect_dma source(%dma_start3A_26 : memref<10240x32xf32, #tpu.memory_space<hbm>>) target(%arg9 : memref<1280x32xf32, #tpu.memory_space<vmem>>) offsets(%dma_start3A : memref<1280xi32, #tpu.memory_space<vmem>>) semaphore(%run_scoped3A : memref<!tpu.dma_semaphore, #tpu.memory_space<semaphore_mem>>)
        %dma_wait3A = tpu.memref_slice %arg7[%mul3A_17] : memref<20480xi32, #tpu.memory_space<vmem>> -> memref<1280xi32, #tpu.memory_space<vmem>>
        %dma_wait3A_27 = arith.constant 0 : i32
        %dma_wait3A_28 = arith.constant 0 : i32
        %dma_wait3A_29 = tpu.memref_slice %arg2[%arg0, %dma_wait3A_27, %dma_wait3A_28] : memref<2x10240x32xf32, #tpu.memory_space<hbm>> -> memref<1x10240x32xf32, #tpu.memory_space<hbm>>
        %dma_wait3A_30 = tpu.memref_squeeze %dma_wait3A_29 : memref<1x10240x32xf32, #tpu.memory_space<hbm>> -> memref<10240x32xf32, #tpu.memory_space<hbm>>
        %dma_wait3A_31 = arith.constant 0 : i32
        %dma_wait3A_32 = arith.constant 0 : i32
        %dma_wait3A_33 = tpu.memref_slice %dma_wait3A_30[%dma_wait3A_31, %dma_wait3A_32] : memref<10240x32xf32, #tpu.memory_space<hbm>> -> memref<10240x32xf32, #tpu.memory_space<hbm>>
        tpu.wait_indirect_dma semaphore(%run_scoped3A : memref<!tpu.dma_semaphore, #tpu.memory_space<semaphore_mem>>) src(%dma_wait3A_33 : memref<10240x32xf32, #tpu.memory_space<hbm>>) dst(%arg9 : memref<1280x32xf32, #tpu.memory_space<vmem>>)
        tpu.yield
      }) : () -> ()
      %mul3A_18 = arith.constant 1280 : i32
      %mul3A_19 = arith.muli %scan3A_15, %mul3A_18 : i32
      "tpu.region"() ({
        %run_scoped3A = tpu.sem_alloc : memref<!tpu.dma_semaphore, #tpu.memory_space<semaphore_mem>>
        %dma_start3A = tpu.memref_slice %arg8[%mul3A_19] : memref<20480xi32, #tpu.memory_space<vmem>> -> memref<1280xi32, #tpu.memory_space<vmem>>
        %dma_start3A_20 = arith.constant 0 : i32
        %dma_start3A_21 = arith.constant 0 : i32
        %dma_start3A_22 = tpu.memref_slice %arg10[%dma_start3A_20, %dma_start3A_21] : memref<10240x32xf32, #tpu.memory_space<vmem_shared>> -> memref<10240x32xf32, #tpu.memory_space<vmem_shared>>
        tpu.enqueue_indirect_dma source(%arg9 : memref<1280x32xf32, #tpu.memory_space<vmem>>) target(%dma_start3A_22 : memref<10240x32xf32, #tpu.memory_space<vmem_shared>>) offsets(%dma_start3A : memref<1280xi32, #tpu.memory_space<vmem>>) semaphore(%run_scoped3A : memref<!tpu.dma_semaphore, #tpu.memory_space<semaphore_mem>>) {add = true}
        %dma_wait3A = tpu.memref_slice %arg8[%mul3A_19] : memref<20480xi32, #tpu.memory_space<vmem>> -> memref<1280xi32, #tpu.memory_space<vmem>>
        %dma_wait3A_23 = arith.constant 0 : i32
        %dma_wait3A_24 = arith.constant 0 : i32
        %dma_wait3A_25 = tpu.memref_slice %arg10[%dma_wait3A_23, %dma_wait3A_24] : memref<10240x32xf32, #tpu.memory_space<vmem_shared>> -> memref<10240x32xf32, #tpu.memory_space<vmem_shared>>
        tpu.wait_indirect_dma semaphore(%run_scoped3A : memref<!tpu.dma_semaphore, #tpu.memory_space<semaphore_mem>>) src(%arg9 : memref<1280x32xf32, #tpu.memory_space<vmem>>) dst(%dma_wait3A_25 : memref<10240x32xf32, #tpu.memory_space<vmem_shared>>)
        tpu.yield
      }) : () -> ()
    }
    %scan3A_9 = arith.constant 16 : i32
    %barrier3A_10 = arith.constant 0 : index
    tpu.barrier barrier_id(%barrier3A_10)
    %mul3A_11 = arith.constant 640 : i32
    %mul3A_12 = arith.muli %arg1, %mul3A_11 : i32
    %mul3A_13 = arith.constant 640 : i32
    %mul3A_14 = arith.muli %arg1, %mul3A_13 : i32
    "tpu.region"() ({
      %run_scoped3A = tpu.sem_alloc : memref<!tpu.dma_semaphore, #tpu.memory_space<semaphore_mem>>
      %dma_start3A = arith.constant 0 : i32
      %dma_start3A_15 = tpu.memref_slice %arg6[%arg0, %mul3A_14, %dma_start3A] : memref<2x10240x32xf32, #tpu.memory_space<hbm>> -> memref<1x640x32xf32, #tpu.memory_space<hbm>>
      %dma_start3A_16 = tpu.memref_squeeze %dma_start3A_15 : memref<1x640x32xf32, #tpu.memory_space<hbm>> -> memref<640x32xf32, #tpu.memory_space<hbm>>
      %dma_start3A_17 = arith.constant 0 : i32
      %dma_start3A_18 = tpu.memref_slice %arg10[%mul3A_12, %dma_start3A_17] : memref<10240x32xf32, #tpu.memory_space<vmem_shared>> -> memref<640x32xf32, #tpu.memory_space<vmem_shared>>
      tpu.enqueue_dma source(%dma_start3A_18 : memref<640x32xf32, #tpu.memory_space<vmem_shared>>) target(%dma_start3A_16 : memref<640x32xf32, #tpu.memory_space<hbm>>) target_semaphore(%run_scoped3A : memref<!tpu.dma_semaphore, #tpu.memory_space<semaphore_mem>>)
      %dma_wait3A = arith.constant 0 : i32
      %dma_wait3A_19 = tpu.memref_slice %arg6[%arg0, %mul3A_14, %dma_wait3A] : memref<2x10240x32xf32, #tpu.memory_space<hbm>> -> memref<1x640x32xf32, #tpu.memory_space<hbm>>
      %dma_wait3A_20 = tpu.memref_squeeze %dma_wait3A_19 : memref<1x640x32xf32, #tpu.memory_space<hbm>> -> memref<640x32xf32, #tpu.memory_space<hbm>>
      %dma_wait3A_21 = arith.constant 0 : i32
      %dma_wait3A_22 = tpu.memref_slice %arg10[%mul3A_12, %dma_wait3A_21] : memref<10240x32xf32, #tpu.memory_space<vmem_shared>> -> memref<640x32xf32, #tpu.memory_space<vmem_shared>>
      tpu.wait_dma2 semaphore(%run_scoped3A : memref<!tpu.dma_semaphore, #tpu.memory_space<semaphore_mem>>) src(%dma_wait3A_22 : memref<640x32xf32, #tpu.memory_space<vmem_shared>>) dst(%dma_wait3A_20 : memref<640x32xf32, #tpu.memory_space<hbm>>)
      tpu.yield
    }) : () -> ()
    return
  }
}

#map = affine_map<(d0, d1) -> (0, 0, 0)>
#map1 = affine_map<(d0, d1) -> (0)>
#map2 = affine_map<(d0, d1) -> (0, 0)>
module attributes {stable_mosaic.version = 14 : i64} {
  func.func @spmm(%arg0: i32, %arg1: i32, %arg2: memref<2x10240x64xf32, #tpu.memory_space<hbm>>, %arg3: memref<327680xi32, #tpu.memory_space<hbm>>, %arg4: memref<327680xi32, #tpu.memory_space<hbm>>, %arg5: memref<640x64xf32, #tpu.memory_space<hbm>>, %arg6: memref<2x10240x64xf32, #tpu.memory_space<hbm>>, %arg7: memref<20480xi32, #tpu.memory_space<vmem>>, %arg8: memref<20480xi32, #tpu.memory_space<vmem>>, %arg9: memref<640x64xf32, #tpu.memory_space<vmem>>, %arg10: memref<10240x64xf32, #tpu.memory_space<vmem_shared>>) attributes {dimension_semantics = [#tpu.dimension_semantics<core_parallel>, #tpu.dimension_semantics<subcore_parallel>], iteration_bounds = array<i64: 2, 16>, scalar_prefetch = 0 : i64, scratch_operands = 4 : i64, tpu.core_type = #tpu.core_type<sc_vector_subcore>, window_params = [{transform_indices = #map}, {transform_indices = #map1}, {transform_indices = #map1}, {transform_indices = #map2}, {transform_indices = #map}]} {
    %mul3A = arith.constant 20480 : i32
    %mul3A_0 = arith.muli %arg1, %mul3A : i32
    "tpu.region"() ({
      %run_scoped3A = tpu.sem_alloc : memref<!tpu.dma_semaphore, #tpu.memory_space<semaphore_mem>>
      %dma_start3A = tpu.memref_slice %arg3[%mul3A_0] : memref<327680xi32, #tpu.memory_space<hbm>> -> memref<20480xi32, #tpu.memory_space<hbm>>
      %dma_start3A_15 = tpu.memref_slice %arg3[%mul3A_0] : memref<327680xi32, #tpu.memory_space<hbm>> -> memref<20480xi32, #tpu.memory_space<hbm>>
      tpu.enqueue_dma source(%dma_start3A_15 : memref<20480xi32, #tpu.memory_space<hbm>>) target(%arg7 : memref<20480xi32, #tpu.memory_space<vmem>>) target_semaphore(%run_scoped3A : memref<!tpu.dma_semaphore, #tpu.memory_space<semaphore_mem>>)
      %dma_wait3A = tpu.memref_slice %arg3[%mul3A_0] : memref<327680xi32, #tpu.memory_space<hbm>> -> memref<20480xi32, #tpu.memory_space<hbm>>
      %dma_wait3A_16 = tpu.memref_slice %arg3[%mul3A_0] : memref<327680xi32, #tpu.memory_space<hbm>> -> memref<20480xi32, #tpu.memory_space<hbm>>
      tpu.wait_dma2 semaphore(%run_scoped3A : memref<!tpu.dma_semaphore, #tpu.memory_space<semaphore_mem>>) src(%dma_wait3A_16 : memref<20480xi32, #tpu.memory_space<hbm>>) dst(%arg7 : memref<20480xi32, #tpu.memory_space<vmem>>)
      tpu.yield
    }) : () -> ()
    %mul3A_1 = arith.constant 20480 : i32
    %mul3A_2 = arith.muli %arg1, %mul3A_1 : i32
    "tpu.region"() ({
      %run_scoped3A = tpu.sem_alloc : memref<!tpu.dma_semaphore, #tpu.memory_space<semaphore_mem>>
      %dma_start3A = tpu.memref_slice %arg4[%mul3A_2] : memref<327680xi32, #tpu.memory_space<hbm>> -> memref<20480xi32, #tpu.memory_space<hbm>>
      %dma_start3A_15 = tpu.memref_slice %arg4[%mul3A_2] : memref<327680xi32, #tpu.memory_space<hbm>> -> memref<20480xi32, #tpu.memory_space<hbm>>
      tpu.enqueue_dma source(%dma_start3A_15 : memref<20480xi32, #tpu.memory_space<hbm>>) target(%arg8 : memref<20480xi32, #tpu.memory_space<vmem>>) target_semaphore(%run_scoped3A : memref<!tpu.dma_semaphore, #tpu.memory_space<semaphore_mem>>)
      %dma_wait3A = tpu.memref_slice %arg4[%mul3A_2] : memref<327680xi32, #tpu.memory_space<hbm>> -> memref<20480xi32, #tpu.memory_space<hbm>>
      %dma_wait3A_16 = tpu.memref_slice %arg4[%mul3A_2] : memref<327680xi32, #tpu.memory_space<hbm>> -> memref<20480xi32, #tpu.memory_space<hbm>>
      tpu.wait_dma2 semaphore(%run_scoped3A : memref<!tpu.dma_semaphore, #tpu.memory_space<semaphore_mem>>) src(%dma_wait3A_16 : memref<20480xi32, #tpu.memory_space<hbm>>) dst(%arg8 : memref<20480xi32, #tpu.memory_space<vmem>>)
      tpu.yield
    }) : () -> ()
    %mul3A_3 = arith.constant 640 : i32
    %mul3A_4 = arith.muli %arg1, %mul3A_3 : i32
    "tpu.region"() ({
      %run_scoped3A = tpu.sem_alloc : memref<!tpu.dma_semaphore, #tpu.memory_space<semaphore_mem>>
      %dma_start3A = arith.constant 0 : i32
      %dma_start3A_15 = tpu.memref_slice %arg10[%mul3A_4, %dma_start3A] : memref<10240x64xf32, #tpu.memory_space<vmem_shared>> -> memref<640x64xf32, #tpu.memory_space<vmem_shared>>
      tpu.enqueue_dma source(%arg5 : memref<640x64xf32, #tpu.memory_space<hbm>>) target(%dma_start3A_15 : memref<640x64xf32, #tpu.memory_space<vmem_shared>>) target_semaphore(%run_scoped3A : memref<!tpu.dma_semaphore, #tpu.memory_space<semaphore_mem>>)
      %dma_wait3A = arith.constant 0 : i32
      %dma_wait3A_16 = tpu.memref_slice %arg10[%mul3A_4, %dma_wait3A] : memref<10240x64xf32, #tpu.memory_space<vmem_shared>> -> memref<640x64xf32, #tpu.memory_space<vmem_shared>>
      tpu.wait_dma2 semaphore(%run_scoped3A : memref<!tpu.dma_semaphore, #tpu.memory_space<semaphore_mem>>) src(%arg5 : memref<640x64xf32, #tpu.memory_space<hbm>>) dst(%dma_wait3A_16 : memref<640x64xf32, #tpu.memory_space<vmem_shared>>)
      tpu.yield
    }) : () -> ()
    %barrier3A = arith.constant 0 : index
    tpu.barrier barrier_id(%barrier3A)
    %scan3A = arith.constant 0 : i32
    %scan3A_5 = arith.constant 0 : i32
    %scan3A_6 = arith.constant 32 : i32
    %scan3A_7 = arith.addi %scan3A_5, %scan3A_6 : i32
    %scan3A_8 = arith.constant 1 : i32
    scf.for %scan3A_15 = %scan3A_5 to %scan3A_7 step %scan3A_8  : i32 {
      %mul3A_16 = arith.constant 640 : i32
      %mul3A_17 = arith.muli %scan3A_15, %mul3A_16 : i32
      "tpu.region"() ({
        %run_scoped3A = tpu.sem_alloc : memref<!tpu.dma_semaphore, #tpu.memory_space<semaphore_mem>>
        %dma_start3A = tpu.memref_slice %arg7[%mul3A_17] : memref<20480xi32, #tpu.memory_space<vmem>> -> memref<640xi32, #tpu.memory_space<vmem>>
        %dma_start3A_20 = arith.constant 0 : i32
        %dma_start3A_21 = arith.constant 0 : i32
        %dma_start3A_22 = tpu.memref_slice %arg2[%arg0, %dma_start3A_20, %dma_start3A_21] : memref<2x10240x64xf32, #tpu.memory_space<hbm>> -> memref<1x10240x64xf32, #tpu.memory_space<hbm>>
        %dma_start3A_23 = tpu.memref_squeeze %dma_start3A_22 : memref<1x10240x64xf32, #tpu.memory_space<hbm>> -> memref<10240x64xf32, #tpu.memory_space<hbm>>
        %dma_start3A_24 = arith.constant 0 : i32
        %dma_start3A_25 = arith.constant 0 : i32
        %dma_start3A_26 = tpu.memref_slice %dma_start3A_23[%dma_start3A_24, %dma_start3A_25] : memref<10240x64xf32, #tpu.memory_space<hbm>> -> memref<10240x64xf32, #tpu.memory_space<hbm>>
        tpu.enqueue_indirect_dma source(%dma_start3A_26 : memref<10240x64xf32, #tpu.memory_space<hbm>>) target(%arg9 : memref<640x64xf32, #tpu.memory_space<vmem>>) offsets(%dma_start3A : memref<640xi32, #tpu.memory_space<vmem>>) semaphore(%run_scoped3A : memref<!tpu.dma_semaphore, #tpu.memory_space<semaphore_mem>>)
        %dma_wait3A = tpu.memref_slice %arg7[%mul3A_17] : memref<20480xi32, #tpu.memory_space<vmem>> -> memref<640xi32, #tpu.memory_space<vmem>>
        %dma_wait3A_27 = arith.constant 0 : i32
        %dma_wait3A_28 = arith.constant 0 : i32
        %dma_wait3A_29 = tpu.memref_slice %arg2[%arg0, %dma_wait3A_27, %dma_wait3A_28] : memref<2x10240x64xf32, #tpu.memory_space<hbm>> -> memref<1x10240x64xf32, #tpu.memory_space<hbm>>
        %dma_wait3A_30 = tpu.memref_squeeze %dma_wait3A_29 : memref<1x10240x64xf32, #tpu.memory_space<hbm>> -> memref<10240x64xf32, #tpu.memory_space<hbm>>
        %dma_wait3A_31 = arith.constant 0 : i32
        %dma_wait3A_32 = arith.constant 0 : i32
        %dma_wait3A_33 = tpu.memref_slice %dma_wait3A_30[%dma_wait3A_31, %dma_wait3A_32] : memref<10240x64xf32, #tpu.memory_space<hbm>> -> memref<10240x64xf32, #tpu.memory_space<hbm>>
        tpu.wait_indirect_dma semaphore(%run_scoped3A : memref<!tpu.dma_semaphore, #tpu.memory_space<semaphore_mem>>) src(%dma_wait3A_33 : memref<10240x64xf32, #tpu.memory_space<hbm>>) dst(%arg9 : memref<640x64xf32, #tpu.memory_space<vmem>>)
        tpu.yield
      }) : () -> ()
      %mul3A_18 = arith.constant 640 : i32
      %mul3A_19 = arith.muli %scan3A_15, %mul3A_18 : i32
      "tpu.region"() ({
        %run_scoped3A = tpu.sem_alloc : memref<!tpu.dma_semaphore, #tpu.memory_space<semaphore_mem>>
        %dma_start3A = tpu.memref_slice %arg8[%mul3A_19] : memref<20480xi32, #tpu.memory_space<vmem>> -> memref<640xi32, #tpu.memory_space<vmem>>
        %dma_start3A_20 = arith.constant 0 : i32
        %dma_start3A_21 = arith.constant 0 : i32
        %dma_start3A_22 = tpu.memref_slice %arg10[%dma_start3A_20, %dma_start3A_21] : memref<10240x64xf32, #tpu.memory_space<vmem_shared>> -> memref<10240x64xf32, #tpu.memory_space<vmem_shared>>
        tpu.enqueue_indirect_dma source(%arg9 : memref<640x64xf32, #tpu.memory_space<vmem>>) target(%dma_start3A_22 : memref<10240x64xf32, #tpu.memory_space<vmem_shared>>) offsets(%dma_start3A : memref<640xi32, #tpu.memory_space<vmem>>) semaphore(%run_scoped3A : memref<!tpu.dma_semaphore, #tpu.memory_space<semaphore_mem>>) {add = true}
        %dma_wait3A = tpu.memref_slice %arg8[%mul3A_19] : memref<20480xi32, #tpu.memory_space<vmem>> -> memref<640xi32, #tpu.memory_space<vmem>>
        %dma_wait3A_23 = arith.constant 0 : i32
        %dma_wait3A_24 = arith.constant 0 : i32
        %dma_wait3A_25 = tpu.memref_slice %arg10[%dma_wait3A_23, %dma_wait3A_24] : memref<10240x64xf32, #tpu.memory_space<vmem_shared>> -> memref<10240x64xf32, #tpu.memory_space<vmem_shared>>
        tpu.wait_indirect_dma semaphore(%run_scoped3A : memref<!tpu.dma_semaphore, #tpu.memory_space<semaphore_mem>>) src(%arg9 : memref<640x64xf32, #tpu.memory_space<vmem>>) dst(%dma_wait3A_25 : memref<10240x64xf32, #tpu.memory_space<vmem_shared>>)
        tpu.yield
      }) : () -> ()
    }
    %scan3A_9 = arith.constant 32 : i32
    %barrier3A_10 = arith.constant 0 : index
    tpu.barrier barrier_id(%barrier3A_10)
    %mul3A_11 = arith.constant 640 : i32
    %mul3A_12 = arith.muli %arg1, %mul3A_11 : i32
    %mul3A_13 = arith.constant 640 : i32
    %mul3A_14 = arith.muli %arg1, %mul3A_13 : i32
    "tpu.region"() ({
      %run_scoped3A = tpu.sem_alloc : memref<!tpu.dma_semaphore, #tpu.memory_space<semaphore_mem>>
      %dma_start3A = arith.constant 0 : i32
      %dma_start3A_15 = tpu.memref_slice %arg6[%arg0, %mul3A_14, %dma_start3A] : memref<2x10240x64xf32, #tpu.memory_space<hbm>> -> memref<1x640x64xf32, #tpu.memory_space<hbm>>
      %dma_start3A_16 = tpu.memref_squeeze %dma_start3A_15 : memref<1x640x64xf32, #tpu.memory_space<hbm>> -> memref<640x64xf32, #tpu.memory_space<hbm>>
      %dma_start3A_17 = arith.constant 0 : i32
      %dma_start3A_18 = tpu.memref_slice %arg10[%mul3A_12, %dma_start3A_17] : memref<10240x64xf32, #tpu.memory_space<vmem_shared>> -> memref<640x64xf32, #tpu.memory_space<vmem_shared>>
      tpu.enqueue_dma source(%dma_start3A_18 : memref<640x64xf32, #tpu.memory_space<vmem_shared>>) target(%dma_start3A_16 : memref<640x64xf32, #tpu.memory_space<hbm>>) target_semaphore(%run_scoped3A : memref<!tpu.dma_semaphore, #tpu.memory_space<semaphore_mem>>)
      %dma_wait3A = arith.constant 0 : i32
      %dma_wait3A_19 = tpu.memref_slice %arg6[%arg0, %mul3A_14, %dma_wait3A] : memref<2x10240x64xf32, #tpu.memory_space<hbm>> -> memref<1x640x64xf32, #tpu.memory_space<hbm>>
      %dma_wait3A_20 = tpu.memref_squeeze %dma_wait3A_19 : memref<1x640x64xf32, #tpu.memory_space<hbm>> -> memref<640x64xf32, #tpu.memory_space<hbm>>
      %dma_wait3A_21 = arith.constant 0 : i32
      %dma_wait3A_22 = tpu.memref_slice %arg10[%mul3A_12, %dma_wait3A_21] : memref<10240x64xf32, #tpu.memory_space<vmem_shared>> -> memref<640x64xf32, #tpu.memory_space<vmem_shared>>
      tpu.wait_dma2 semaphore(%run_scoped3A : memref<!tpu.dma_semaphore, #tpu.memory_space<semaphore_mem>>) src(%dma_wait3A_22 : memref<640x64xf32, #tpu.memory_space<vmem_shared>>) dst(%dma_wait3A_20 : memref<640x64xf32, #tpu.memory_space<hbm>>)
      tpu.yield
    }) : () -> ()
    return
  }
}

module attributes {stable_mosaic.version = 14 : i64} {
  func.func @_tc_pre_body(%arg0: i32, %arg1: memref<2048x128xf32, #tpu.memory_space<vmem>>, %arg2: memref<2048x1xf32, #tpu.memory_space<vmem>>, %arg3: memref<2048x1xf32, #tpu.memory_space<vmem>>, %arg4: memref<2x2048x64xf32, #tpu.memory_space<vmem>>, %arg5: memref<2048x1xf32, #tpu.memory_space<vmem>>) attributes {dimension_semantics = [#tpu.dimension_semantics<arbitrary>], iteration_bounds = array<i64: 5>, scalar_prefetch = 0 : i64, scratch_operands = 0 : i64, tpu.core_type = #tpu.core_type<tc>, window_params = [{transform_indices = @transform_0, window_bounds = array<i64: 2048, 128>}, {transform_indices = @transform_1, window_bounds = array<i64: 2048, 1>}, {transform_indices = @transform_2, window_bounds = array<i64: 2048, 1>}, {transform_indices = @transform_3, window_bounds = array<i64: 2, 2048, 64>}, {transform_indices = @transform_4, window_bounds = array<i64: 2048, 1>}]} {
    %get3A = arith.constant 0 : index
    %get3A_0 = arith.constant 0 : index
    %get3A_1 = vector.load %arg2[%get3A, %get3A_0] : memref<2048x1xf32, #tpu.memory_space<vmem>>, vector<2048x1xf32>
    %get3A_2 = arith.constant 0 : index
    %get3A_3 = arith.constant 0 : index
    %get3A_4 = vector.load %arg3[%get3A_2, %get3A_3] : memref<2048x1xf32, #tpu.memory_space<vmem>>, vector<2048x1xf32>
    %add3A = arith.addf %get3A_1, %get3A_4 : vector<2048x1xf32>
    %gt3A = arith.constant 0.000000e+00 : f32
    %gt3A_5 = vector.broadcast %gt3A : f32 to vector<2048x1xf32>
    %gt3A_6 = arith.cmpf ogt, %add3A, %gt3A_5 : vector<2048x1xf32>
    %max3A = arith.constant 1.000000e+00 : f32
    %max3A_7 = vector.broadcast %max3A : f32 to vector<2048x1xf32>
    %max3A_8 = arith.maximumf %add3A, %max3A_7 : vector<2048x1xf32>
    %rsqrt3A = math.rsqrt %max3A_8 : vector<2048x1xf32>
    %jit3A = arith.constant 0.000000e+00 : f32
    %broadcast_in_dim3A = vector.broadcast %jit3A : f32 to vector<2048x1xf32>
    %select_n3A = arith.select %gt3A_6, %rsqrt3A, %broadcast_in_dim3A : vector<2048x1xi1>, vector<2048x1xf32>
    %get3A_9 = arith.constant 0 : index
    %get3A_10 = arith.constant 0 : index
    %get3A_11 = vector.load %arg1[%get3A_9, %get3A_10] : memref<2048x128xf32, #tpu.memory_space<vmem>>, vector<2048x128xf32>
    %mul3A = vector.broadcast %select_n3A : vector<2048x1xf32> to vector<2048x128xf32>
    %mul3A_12 = arith.mulf %get3A_11, %mul3A : vector<2048x128xf32>
    %slice3A = vector.extract_strided_slice %mul3A_12 {offsets = [0, 0], sizes = [2048, 64], strides = [1, 1]} : vector<2048x128xf32> to vector<2048x64xf32>
    %slice3A_13 = vector.extract_strided_slice %mul3A_12 {offsets = [0, 64], sizes = [2048, 64], strides = [1, 1]} : vector<2048x128xf32> to vector<2048x64xf32>
    %stack3A = vector.shape_cast %slice3A : vector<2048x64xf32> to vector<1x2048x64xf32>
    %stack3A_14 = vector.shape_cast %slice3A_13 : vector<2048x64xf32> to vector<1x2048x64xf32>
    %stack3A_15 = tpu.concatenate %stack3A, %stack3A_14 in 0 : vector<1x2048x64xf32>, vector<1x2048x64xf32> -> vector<2x2048x64xf32>
    %swap3A = arith.constant 0 : index
    %swap3A_16 = arith.constant 0 : index
    %swap3A_17 = arith.constant 0 : index
    %swap3A_18 = vector.load %arg4[%swap3A, %swap3A_16, %swap3A_17] : memref<2x2048x64xf32, #tpu.memory_space<vmem>>, vector<2x2048x64xf32>
    tpu.vector_store %arg4[%swap3A, %swap3A_16, %swap3A_17], %stack3A_15 {strides = array<i32>} : memref<2x2048x64xf32, #tpu.memory_space<vmem>>, vector<2x2048x64xf32>,
    %swap3A_19 = arith.constant 0 : index
    %swap3A_20 = arith.constant 0 : index
    %swap3A_21 = vector.load %arg5[%swap3A_19, %swap3A_20] : memref<2048x1xf32, #tpu.memory_space<vmem>>, vector<2048x1xf32>
    tpu.vector_store %arg5[%swap3A_19, %swap3A_20], %select_n3A {strides = array<i32>} : memref<2048x1xf32, #tpu.memory_space<vmem>>, vector<2048x1xf32>,
    return
  }
  func.func @transform_0(%arg0: i32) -> (i32, i32) {
    %c0_i32 = arith.constant 0 : i32
    %c0_i32_0 = arith.constant 0 : i32
    return %arg0, %c0_i32 : i32, i32
  }
  func.func @transform_1(%arg0: i32) -> (i32, i32) {
    %c0_i32 = arith.constant 0 : i32
    %c0_i32_0 = arith.constant 0 : i32
    return %arg0, %c0_i32 : i32, i32
  }
  func.func @transform_2(%arg0: i32) -> (i32, i32) {
    %c0_i32 = arith.constant 0 : i32
    %c0_i32_0 = arith.constant 0 : i32
    return %arg0, %c0_i32 : i32, i32
  }
  func.func @transform_3(%arg0: i32) -> (i32, i32, i32) {
    %c0_i32 = arith.constant 0 : i32
    %c0_i32_0 = arith.constant 0 : i32
    %c0_i32_1 = arith.constant 0 : i32
    return %c0_i32, %arg0, %c0_i32_0 : i32, i32, i32
  }
  func.func @transform_4(%arg0: i32) -> (i32, i32) {
    %c0_i32 = arith.constant 0 : i32
    %c0_i32_0 = arith.constant 0 : i32
    return %arg0, %c0_i32 : i32, i32
  }
}

module attributes {stable_mosaic.version = 14 : i64} {
  func.func @_tc_mid1_body(%arg0: i32, %arg1: memref<2x2048x64xf32, #tpu.memory_space<vmem>>, %arg2: memref<2048x1xf32, #tpu.memory_space<vmem>>, %arg3: memref<128x128xf32, #tpu.memory_space<vmem>>, %arg4: memref<1x128xf32, #tpu.memory_space<vmem>>, %arg5: memref<2x2048x64xf32, #tpu.memory_space<vmem>>) attributes {dimension_semantics = [#tpu.dimension_semantics<arbitrary>], iteration_bounds = array<i64: 5>, scalar_prefetch = 0 : i64, scratch_operands = 0 : i64, tpu.core_type = #tpu.core_type<tc>, window_params = [{transform_indices = @transform_0, window_bounds = array<i64: 2, 2048, 64>}, {transform_indices = @transform_1, window_bounds = array<i64: 2048, 1>}, {pipeline_mode = #tpu.pipeline_mode<synchronous>, transform_indices = @transform_2, window_bounds = array<i64: 128, 128>}, {pipeline_mode = #tpu.pipeline_mode<synchronous>, transform_indices = @transform_3, window_bounds = array<i64: 1, 128>}, {transform_indices = @transform_4, window_bounds = array<i64: 2, 2048, 64>}]} {
    %get3A = arith.constant 0 : index
    %get3A_0 = arith.constant 0 : index
    %get3A_1 = vector.load %arg2[%get3A, %get3A_0] : memref<2048x1xf32, #tpu.memory_space<vmem>>, vector<2048x1xf32>
    %get3A_2 = arith.constant 0 : index
    %get3A_3 = arith.constant 0 : index
    %get3A_4 = arith.constant 0 : index
    %get3A_5 = vector.load %arg1[%get3A_2, %get3A_3, %get3A_4] : memref<2x2048x64xf32, #tpu.memory_space<vmem>>, vector<1x2048x64xf32>
    %get3A_6 = vector.shape_cast %get3A_5 : vector<1x2048x64xf32> to vector<2048x64xf32>
    %get3A_7 = arith.constant 1 : index
    %get3A_8 = arith.constant 0 : index
    %get3A_9 = arith.constant 0 : index
    %get3A_10 = vector.load %arg1[%get3A_7, %get3A_8, %get3A_9] : memref<2x2048x64xf32, #tpu.memory_space<vmem>>, vector<1x2048x64xf32>
    %get3A_11 = vector.shape_cast %get3A_10 : vector<1x2048x64xf32> to vector<2048x64xf32>
    %concatenate3A = tpu.concatenate %get3A_6, %get3A_11 in 1 : vector<2048x64xf32>, vector<2048x64xf32> -> vector<2048x128xf32>
    %mul3A = vector.broadcast %get3A_1 : vector<2048x1xf32> to vector<2048x128xf32>
    %mul3A_12 = arith.mulf %concatenate3A, %mul3A : vector<2048x128xf32>
    %get3A_13 = arith.constant 0 : index
    %get3A_14 = arith.constant 0 : index
    %get3A_15 = vector.load %arg3[%get3A_13, %get3A_14] : memref<128x128xf32, #tpu.memory_space<vmem>>, vector<128x128xf32>
    %dot_general3A = arith.constant dense<0.000000e+00> : vector<2048x128xf32>
    %dot_general3A_16 = tpu.matmul %mul3A_12, %get3A_15, %dot_general3A {dimension_numbers = #tpu.dot_dimension_numbers<[1], [0], [0], [1], [0, 0, 1, 1], [], []>, transpose_lhs_hint = false} : vector<2048x128xf32>, vector<128x128xf32>, vector<2048x128xf32> -> vector<2048x128xf32>
    %get3A_17 = arith.constant 0 : index
    %get3A_18 = arith.constant 0 : index
    %get3A_19 = vector.load %arg4[%get3A_17, %get3A_18] : memref<1x128xf32, #tpu.memory_space<vmem>>, vector<1x128xf32>
    %add3A = vector.broadcast %get3A_19 : vector<1x128xf32> to vector<2048x128xf32>
    %add3A_20 = arith.addf %dot_general3A_16, %add3A : vector<2048x128xf32>
    %mul3A_21 = vector.broadcast %get3A_1 : vector<2048x1xf32> to vector<2048x128xf32>
    %mul3A_22 = arith.mulf %add3A_20, %mul3A_21 : vector<2048x128xf32>
    %slice3A = vector.extract_strided_slice %mul3A_22 {offsets = [0, 0], sizes = [2048, 64], strides = [1, 1]} : vector<2048x128xf32> to vector<2048x64xf32>
    %slice3A_23 = vector.extract_strided_slice %mul3A_22 {offsets = [0, 64], sizes = [2048, 64], strides = [1, 1]} : vector<2048x128xf32> to vector<2048x64xf32>
    %stack3A = vector.shape_cast %slice3A : vector<2048x64xf32> to vector<1x2048x64xf32>
    %stack3A_24 = vector.shape_cast %slice3A_23 : vector<2048x64xf32> to vector<1x2048x64xf32>
    %stack3A_25 = tpu.concatenate %stack3A, %stack3A_24 in 0 : vector<1x2048x64xf32>, vector<1x2048x64xf32> -> vector<2x2048x64xf32>
    %swap3A = arith.constant 0 : index
    %swap3A_26 = arith.constant 0 : index
    %swap3A_27 = arith.constant 0 : index
    %swap3A_28 = vector.load %arg5[%swap3A, %swap3A_26, %swap3A_27] : memref<2x2048x64xf32, #tpu.memory_space<vmem>>, vector<2x2048x64xf32>
    tpu.vector_store %arg5[%swap3A, %swap3A_26, %swap3A_27], %stack3A_25 {strides = array<i32>} : memref<2x2048x64xf32, #tpu.memory_space<vmem>>, vector<2x2048x64xf32>,
    return
  }
  func.func @transform_0(%arg0: i32) -> (i32, i32, i32) {
    %c0_i32 = arith.constant 0 : i32
    %c0_i32_0 = arith.constant 0 : i32
    %c0_i32_1 = arith.constant 0 : i32
    return %c0_i32, %arg0, %c0_i32_0 : i32, i32, i32
  }
  func.func @transform_1(%arg0: i32) -> (i32, i32) {
    %c0_i32 = arith.constant 0 : i32
    %c0_i32_0 = arith.constant 0 : i32
    return %arg0, %c0_i32 : i32, i32
  }
  func.func @transform_2(%arg0: i32) -> (i32, i32) {
    %c0_i32 = arith.constant 0 : i32
    %c0_i32_0 = arith.constant 0 : i32
    %c0_i32_1 = arith.constant 0 : i32
    return %c0_i32, %c0_i32_0 : i32, i32
  }
  func.func @transform_3(%arg0: i32) -> (i32, i32) {
    %c0_i32 = arith.constant 0 : i32
    %c0_i32_0 = arith.constant 0 : i32
    %c0_i32_1 = arith.constant 0 : i32
    return %c0_i32, %c0_i32_0 : i32, i32
  }
  func.func @transform_4(%arg0: i32) -> (i32, i32, i32) {
    %c0_i32 = arith.constant 0 : i32
    %c0_i32_0 = arith.constant 0 : i32
    %c0_i32_1 = arith.constant 0 : i32
    return %c0_i32, %arg0, %c0_i32_0 : i32, i32, i32
  }
}

module attributes {stable_mosaic.version = 14 : i64} {
  func.func @_tc_mid2_body(%arg0: i32, %arg1: memref<2x2048x64xf32, #tpu.memory_space<vmem>>, %arg2: memref<2048x1xf32, #tpu.memory_space<vmem>>, %arg3: memref<128x128xf32, #tpu.memory_space<vmem>>, %arg4: memref<1x128xf32, #tpu.memory_space<vmem>>, %arg5: memref<128x64xf32, #tpu.memory_space<vmem>>, %arg6: memref<2x2048x32xf32, #tpu.memory_space<vmem>>) attributes {dimension_semantics = [#tpu.dimension_semantics<arbitrary>], iteration_bounds = array<i64: 5>, scalar_prefetch = 0 : i64, scratch_operands = 0 : i64, tpu.core_type = #tpu.core_type<tc>, window_params = [{transform_indices = @transform_0, window_bounds = array<i64: 2, 2048, 64>}, {transform_indices = @transform_1, window_bounds = array<i64: 2048, 1>}, {pipeline_mode = #tpu.pipeline_mode<synchronous>, transform_indices = @transform_2, window_bounds = array<i64: 128, 128>}, {pipeline_mode = #tpu.pipeline_mode<synchronous>, transform_indices = @transform_3, window_bounds = array<i64: 1, 128>}, {pipeline_mode = #tpu.pipeline_mode<synchronous>, transform_indices = @transform_4, window_bounds = array<i64: 128, 64>}, {transform_indices = @transform_5, window_bounds = array<i64: 2, 2048, 32>}]} {
    %get3A = arith.constant 0 : index
    %get3A_0 = arith.constant 0 : index
    %get3A_1 = vector.load %arg2[%get3A, %get3A_0] : memref<2048x1xf32, #tpu.memory_space<vmem>>, vector<2048x1xf32>
    %get3A_2 = arith.constant 0 : index
    %get3A_3 = arith.constant 0 : index
    %get3A_4 = arith.constant 0 : index
    %get3A_5 = vector.load %arg1[%get3A_2, %get3A_3, %get3A_4] : memref<2x2048x64xf32, #tpu.memory_space<vmem>>, vector<1x2048x64xf32>
    %get3A_6 = vector.shape_cast %get3A_5 : vector<1x2048x64xf32> to vector<2048x64xf32>
    %get3A_7 = arith.constant 1 : index
    %get3A_8 = arith.constant 0 : index
    %get3A_9 = arith.constant 0 : index
    %get3A_10 = vector.load %arg1[%get3A_7, %get3A_8, %get3A_9] : memref<2x2048x64xf32, #tpu.memory_space<vmem>>, vector<1x2048x64xf32>
    %get3A_11 = vector.shape_cast %get3A_10 : vector<1x2048x64xf32> to vector<2048x64xf32>
    %concatenate3A = tpu.concatenate %get3A_6, %get3A_11 in 1 : vector<2048x64xf32>, vector<2048x64xf32> -> vector<2048x128xf32>
    %mul3A = vector.broadcast %get3A_1 : vector<2048x1xf32> to vector<2048x128xf32>
    %mul3A_12 = arith.mulf %concatenate3A, %mul3A : vector<2048x128xf32>
    %get3A_13 = arith.constant 0 : index
    %get3A_14 = arith.constant 0 : index
    %get3A_15 = vector.load %arg3[%get3A_13, %get3A_14] : memref<128x128xf32, #tpu.memory_space<vmem>>, vector<128x128xf32>
    %dot_general3A = arith.constant dense<0.000000e+00> : vector<2048x128xf32>
    %dot_general3A_16 = tpu.matmul %mul3A_12, %get3A_15, %dot_general3A {dimension_numbers = #tpu.dot_dimension_numbers<[1], [0], [0], [1], [0, 0, 1, 1], [], []>, transpose_lhs_hint = false} : vector<2048x128xf32>, vector<128x128xf32>, vector<2048x128xf32> -> vector<2048x128xf32>
    %get3A_17 = arith.constant 0 : index
    %get3A_18 = arith.constant 0 : index
    %get3A_19 = vector.load %arg4[%get3A_17, %get3A_18] : memref<1x128xf32, #tpu.memory_space<vmem>>, vector<1x128xf32>
    %add3A = vector.broadcast %get3A_19 : vector<1x128xf32> to vector<2048x128xf32>
    %add3A_20 = arith.addf %dot_general3A_16, %add3A : vector<2048x128xf32>
    %mul3A_21 = vector.broadcast %get3A_1 : vector<2048x1xf32> to vector<2048x128xf32>
    %mul3A_22 = arith.mulf %add3A_20, %mul3A_21 : vector<2048x128xf32>
    %get3A_23 = arith.constant 0 : index
    %get3A_24 = arith.constant 0 : index
    %get3A_25 = vector.load %arg5[%get3A_23, %get3A_24] : memref<128x64xf32, #tpu.memory_space<vmem>>, vector<128x64xf32>
    %dot_general3A_26 = arith.constant dense<0.000000e+00> : vector<2048x64xf32>
    %dot_general3A_27 = tpu.matmul %mul3A_22, %get3A_25, %dot_general3A_26 {dimension_numbers = #tpu.dot_dimension_numbers<[1], [0], [0], [1], [0, 0, 1, 1], [], []>, transpose_lhs_hint = false} : vector<2048x128xf32>, vector<128x64xf32>, vector<2048x64xf32> -> vector<2048x64xf32>
    %slice3A = vector.extract_strided_slice %dot_general3A_27 {offsets = [0, 0], sizes = [2048, 32], strides = [1, 1]} : vector<2048x64xf32> to vector<2048x32xf32>
    %slice3A_28 = vector.extract_strided_slice %dot_general3A_27 {offsets = [0, 32], sizes = [2048, 32], strides = [1, 1]} : vector<2048x64xf32> to vector<2048x32xf32>
    %stack3A = vector.shape_cast %slice3A : vector<2048x32xf32> to vector<1x2048x32xf32>
    %stack3A_29 = vector.shape_cast %slice3A_28 : vector<2048x32xf32> to vector<1x2048x32xf32>
    %stack3A_30 = tpu.concatenate %stack3A, %stack3A_29 in 0 : vector<1x2048x32xf32>, vector<1x2048x32xf32> -> vector<2x2048x32xf32>
    %swap3A = arith.constant 0 : index
    %swap3A_31 = arith.constant 0 : index
    %swap3A_32 = arith.constant 0 : index
    %swap3A_33 = vector.load %arg6[%swap3A, %swap3A_31, %swap3A_32] : memref<2x2048x32xf32, #tpu.memory_space<vmem>>, vector<2x2048x32xf32>
    tpu.vector_store %arg6[%swap3A, %swap3A_31, %swap3A_32], %stack3A_30 {strides = array<i32>} : memref<2x2048x32xf32, #tpu.memory_space<vmem>>, vector<2x2048x32xf32>,
    return
  }
  func.func @transform_0(%arg0: i32) -> (i32, i32, i32) {
    %c0_i32 = arith.constant 0 : i32
    %c0_i32_0 = arith.constant 0 : i32
    %c0_i32_1 = arith.constant 0 : i32
    return %c0_i32, %arg0, %c0_i32_0 : i32, i32, i32
  }
  func.func @transform_1(%arg0: i32) -> (i32, i32) {
    %c0_i32 = arith.constant 0 : i32
    %c0_i32_0 = arith.constant 0 : i32
    return %arg0, %c0_i32 : i32, i32
  }
  func.func @transform_2(%arg0: i32) -> (i32, i32) {
    %c0_i32 = arith.constant 0 : i32
    %c0_i32_0 = arith.constant 0 : i32
    %c0_i32_1 = arith.constant 0 : i32
    return %c0_i32, %c0_i32_0 : i32, i32
  }
  func.func @transform_3(%arg0: i32) -> (i32, i32) {
    %c0_i32 = arith.constant 0 : i32
    %c0_i32_0 = arith.constant 0 : i32
    %c0_i32_1 = arith.constant 0 : i32
    return %c0_i32, %c0_i32_0 : i32, i32
  }
  func.func @transform_4(%arg0: i32) -> (i32, i32) {
    %c0_i32 = arith.constant 0 : i32
    %c0_i32_0 = arith.constant 0 : i32
    %c0_i32_1 = arith.constant 0 : i32
    return %c0_i32, %c0_i32_0 : i32, i32
  }
  func.func @transform_5(%arg0: i32) -> (i32, i32, i32) {
    %c0_i32 = arith.constant 0 : i32
    %c0_i32_0 = arith.constant 0 : i32
    %c0_i32_1 = arith.constant 0 : i32
    return %c0_i32, %arg0, %c0_i32_0 : i32, i32, i32
  }
}

module attributes {stable_mosaic.version = 14 : i64} {
  func.func @_tc_post_body(%arg0: i32, %arg1: memref<2x2048x32xf32, #tpu.memory_space<vmem>>, %arg2: memref<2048x1xf32, #tpu.memory_space<vmem>>, %arg3: memref<1x64xf32, #tpu.memory_space<vmem>>, %arg4: memref<2048x64xf32, #tpu.memory_space<vmem>>) attributes {dimension_semantics = [#tpu.dimension_semantics<arbitrary>], iteration_bounds = array<i64: 5>, scalar_prefetch = 0 : i64, scratch_operands = 0 : i64, tpu.core_type = #tpu.core_type<tc>, window_params = [{transform_indices = @transform_0, window_bounds = array<i64: 2, 2048, 32>}, {transform_indices = @transform_1, window_bounds = array<i64: 2048, 1>}, {pipeline_mode = #tpu.pipeline_mode<synchronous>, transform_indices = @transform_2, window_bounds = array<i64: 1, 64>}, {transform_indices = @transform_3, window_bounds = array<i64: 2048, 64>}]} {
    %get3A = arith.constant 0 : index
    %get3A_0 = arith.constant 0 : index
    %get3A_1 = arith.constant 0 : index
    %get3A_2 = vector.load %arg1[%get3A, %get3A_0, %get3A_1] : memref<2x2048x32xf32, #tpu.memory_space<vmem>>, vector<1x2048x32xf32>
    %get3A_3 = vector.shape_cast %get3A_2 : vector<1x2048x32xf32> to vector<2048x32xf32>
    %get3A_4 = arith.constant 1 : index
    %get3A_5 = arith.constant 0 : index
    %get3A_6 = arith.constant 0 : index
    %get3A_7 = vector.load %arg1[%get3A_4, %get3A_5, %get3A_6] : memref<2x2048x32xf32, #tpu.memory_space<vmem>>, vector<1x2048x32xf32>
    %get3A_8 = vector.shape_cast %get3A_7 : vector<1x2048x32xf32> to vector<2048x32xf32>
    %concatenate3A = tpu.concatenate %get3A_3, %get3A_8 in 1 : vector<2048x32xf32>, vector<2048x32xf32> -> vector<2048x64xf32>
    %get3A_9 = arith.constant 0 : index
    %get3A_10 = arith.constant 0 : index
    %get3A_11 = vector.load %arg2[%get3A_9, %get3A_10] : memref<2048x1xf32, #tpu.memory_space<vmem>>, vector<2048x1xf32>
    %mul3A = vector.broadcast %get3A_11 : vector<2048x1xf32> to vector<2048x64xf32>
    %mul3A_12 = arith.mulf %concatenate3A, %mul3A : vector<2048x64xf32>
    %get3A_13 = arith.constant 0 : index
    %get3A_14 = arith.constant 0 : index
    %get3A_15 = vector.load %arg3[%get3A_13, %get3A_14] : memref<1x64xf32, #tpu.memory_space<vmem>>, vector<1x64xf32>
    %add3A = vector.broadcast %get3A_15 : vector<1x64xf32> to vector<2048x64xf32>
    %add3A_16 = arith.addf %mul3A_12, %add3A : vector<2048x64xf32>
    %reduce_max3A = arith.constant dense<0xFF800000> : vector<2048xf32>
    %reduce_max3A_17 = vector.multi_reduction <maximumf>, %add3A_16, %reduce_max3A [1] : vector<2048x64xf32> to vector<2048xf32>
    %broadcast_in_dim3A = vector.shape_cast %reduce_max3A_17 : vector<2048xf32> to vector<2048x1xf32>
    %sub3A = vector.broadcast %broadcast_in_dim3A : vector<2048x1xf32> to vector<2048x64xf32>
    %sub3A_18 = arith.subf %add3A_16, %sub3A : vector<2048x64xf32>
    %exp3A = math.exp %sub3A_18 : vector<2048x64xf32>
    %reduce_sum3A = arith.constant dense<0.000000e+00> : vector<2048xf32>
    %reduce_sum3A_19 = vector.multi_reduction <add>, %exp3A, %reduce_sum3A [1] : vector<2048x64xf32> to vector<2048xf32>
    %broadcast_in_dim3A_20 = vector.shape_cast %reduce_sum3A_19 : vector<2048xf32> to vector<2048x1xf32>
    %sub3A_21 = vector.broadcast %broadcast_in_dim3A : vector<2048x1xf32> to vector<2048x64xf32>
    %sub3A_22 = arith.subf %add3A_16, %sub3A_21 : vector<2048x64xf32>
    %log3A = math.log %broadcast_in_dim3A_20 : vector<2048x1xf32>
    %sub3A_23 = vector.broadcast %log3A : vector<2048x1xf32> to vector<2048x64xf32>
    %sub3A_24 = arith.subf %sub3A_22, %sub3A_23 : vector<2048x64xf32>
    %swap3A = arith.constant 0 : index
    %swap3A_25 = arith.constant 0 : index
    %swap3A_26 = vector.load %arg4[%swap3A, %swap3A_25] : memref<2048x64xf32, #tpu.memory_space<vmem>>, vector<2048x64xf32>
    tpu.vector_store %arg4[%swap3A, %swap3A_25], %sub3A_24 {strides = array<i32>} : memref<2048x64xf32, #tpu.memory_space<vmem>>, vector<2048x64xf32>,
    return
  }
  func.func @transform_0(%arg0: i32) -> (i32, i32, i32) {
    %c0_i32 = arith.constant 0 : i32
    %c0_i32_0 = arith.constant 0 : i32
    %c0_i32_1 = arith.constant 0 : i32
    return %c0_i32, %arg0, %c0_i32_0 : i32, i32, i32
  }
  func.func @transform_1(%arg0: i32) -> (i32, i32) {
    %c0_i32 = arith.constant 0 : i32
    %c0_i32_0 = arith.constant 0 : i32
    return %arg0, %c0_i32 : i32, i32
  }
  func.func @transform_2(%arg0: i32) -> (i32, i32) {
    %c0_i32 = arith.constant 0 : i32
    %c0_i32_0 = arith.constant 0 : i32
    %c0_i32_1 = arith.constant 0 : i32
    return %c0_i32, %c0_i32_0 : i32, i32
  }
  func.func @transform_3(%arg0: i32) -> (i32, i32) {
    %c0_i32 = arith.constant 0 : i32
    %c0_i32_0 = arith.constant 0 : i32
    return %arg0, %c0_i32 : i32, i32
  }
}

</mosaic_0001>

<sc_bundles>
// kernel: kernel.10.cloned.1.call-start
scs
__scs_entry_jumppad:
0x0: {  	(pc) =	sbr.rel $0x88, $3  }
0x1: {  	(tag) =	ssettag $0x0;
	lr =	simm.s32 $0x1  }
0x2: {  	[smem:$0x3F99] =	sst lr;
	_ =	strace $0xD0000000  }
0x3: {  	_ = 	snop  }
0x4: {  	_ = 	snop  }
0x5: {  	_ = 	snop  }
0x6: {  	_ = 	snop  }
0x7: {  	_ = 	snop  }
__scs_overlays_trampoline_lowered:
0x8: {  	[smem:$0x3FA8] =	sst s0  }
0x9: {  	[smem:$0x3FA9] =	sst s1  }
0xa: {  	[smem:$0x3FAA] =	sst s2  }
0xb: {  	[smem:$0x3FAB] =	sst s3  }
0xc: {  	[smem:$0x3FAC] =	sst s4  }
0xd: {  	[smem:$0x3FAD] =	sst s5  }
0xe: {  	[smem:$0x3FAE] =	sst s6  }
0xf: {  	[smem:$0x3FAF] =	sst s7  }
0x10: {  	[smem:$0x3FB0] =	sst s8  }
0x11: {  	[smem:$0x3FB1] =	sst s9;
	s0 =	simm.s32 @!p0 $0x0  }
0x12: {  	s1 =	sld [smem:$0x3F97];
	s0 =	simm.s32 @p0 $0x1  }
0x13: {  	[smem:$0x3FB2] =	sst s0;
	s0 =	simm.s32 @!p1 $0x0  }
0x14: {  	s2 =	sld [smem:$0x3F96];
	s0 =	simm.s32 @p1 $0x1  }
0x15: {  	[smem:$0x3FB3] =	sst s0;
	s0 =	simm.s32 @!p2 $0x0  }
0x16: {  	s3 =	sld [smem:$0x3FDB];
	s0 =	simm.s32 @p2 $0x1  }
0x17: {  	s4 =	simm.s32 $0x1BF5;
	[smem:$0x3FB5] =	sst s0  }
0x18: {  	s0 =	sld [smem:$0x3F98];
	_ =	swait.ge [sflag:s4], $0x0  }
0x19: {  	s7 =	sld [smem:$0x3F99]  }
0x1a: {  	s8 =	sadd.s32 $0xFFFFE003, lr  }
0x1b: {  	s9 =	sadd.s32 $0xFFFFFEF7, lr;
	s5 =	simm.s32 $0xFFFFFFFF;
	p2 =	slt.u32 s8, $0xFFFFF086  }
0x1c: {  	p1 =	slt.u32 s9, $0xF7A;
	s5 =	simm.s32 @!p2 $0x0  }
0x1d: {  	s5 =	simm.s32 @p1 $0x1;
	p0 =	seq.s32 s7, s2  }
0x1e: {  	s7 =	smul.u32 @!p0 $0xF7A, s2;
	p2 =	seq.s32 @!p0 s5, $0x0  }
0x1f: {  	s9 =	smul.u32 $0xF7A, s1;
	s8 =	simm.s32 @!p0 $0x1BF5;
	p2 =	por !p2, p0  }
0x20: {  	[sflag:s8] =	ssyncset.s32 @!p0 $0xFFFFF086;
	s6 =	sadd.s32 @!p0 s3, s7;
	s7 =	simm.s32 @!p0 $0x108  }
0x21: {  	s3 =	sadd.s32 s3, s9;
	s6 =	sadd.s32 @!p0 $0x88, s6;
	s7 =	simm.s32 @p2 $0x1082  }
0x22: {  	[simem:s7], [sflag:s8] =	dma.local @!p0 [hbm:s6], $0xF7A  }
0x23: {  	s9 =	sor.u32 $0xD0000000, s2;
	s6 =	simm.s32 $0x108;
	_ =	swait.ge @!p0 [sflag:s8], $0x0  }
0x24: {  	s3 =	sadd.s32 $0x88, s3;
	s6 =	simm.s32 @!p1 $0x1082;
	[sflag:s4] =	ssyncset.s32 $0xFFFFF086  }
0x25: {  	[simem:s6], [sflag:s4] =	dma.local [hbm:s3], $0xF7A  }
0x26: {  	[smem:$0x3F99] =	sst s1;
	(tag) =	ssettag s2;
	_ =	strace s9  }
0x27: {  	s1 =	sld [smem:$0x3FA9]  }
0x28: {  	s2 =	sld [smem:$0x3FAA]  }
0x29: {  	s4 =	sld [smem:$0x3FAC]  }
0x2a: {  	p0 =	seq.s32 s5, $0x0;
	s5 =	sld [smem:$0x3FAD]  }
0x2b: {  	s6 =	sld [smem:$0x3FAE]  }
0x2c: {  	s7 =	sld [smem:$0x3FAF]  }
0x2d: {  	s3 =	simm.s32 $0x108;
	s8 =	sld [smem:$0x3FB0]  }
0x2e: {  	s3 =	simm.s32 @!p0 $0x1082;
	s9 =	sld [smem:$0x3FB1]  }
0x2f: {  	lr =	sadd.s32 s0, s3;
	s0 =	sld [smem:$0x3FA8]  }
0x30: {  	s3 =	sld [smem:$0x3FAB]  }
0x31: {  	[smem:$0x3FB4] =	sst s10  }
0x32: {  	s10 =	sld [smem:$0x3FB2];
	_ =	sdelay $0x3  }
0x33: {  	p0 =	seq.s32 s10, $0x1;
	s10 =	sld [smem:$0x3FB4];
	_ =	sdelay $0x3  }
0x34: {  	[smem:$0x3FB4] =	sst s10  }
0x35: {  	s10 =	sld [smem:$0x3FB3];
	_ =	sdelay $0x3  }
0x36: {  	p1 =	seq.s32 s10, $0x1;
	s10 =	sld [smem:$0x3FB4];
	_ =	sdelay $0x3  }
0x37: {  	[smem:$0x3FB4] =	sst s10  }
0x38: {  	s10 =	sld [smem:$0x3FB5]  }
0x39: {  	_ = 	snop;
	(pc) =	sbr.ind lr, $3  }
0x3a: {  	_ = 	snop  }
0x3b: {  	_ = 	snop  }
0x3c: {  	p2 =	seq.s32 s10, $0x1;
	s10 =	sld [smem:$0x3FB4]  }
0x3d: {  	_ =	shalt  }
0x3e: {  	_ =	shalt  }
0x3f: {  	_ =	shalt  }
0x40: {  	_ =	shalt  }
0x41: {  	_ =	shalt  }
0x42: {  	_ =	shalt  }
0x43: {  	_ =	shalt  }
0x44: {  	_ =	shalt  }
0x45: {  	_ =	shalt  }
0x46: {  	_ =	shalt  }
0x47: {  	_ =	shalt  }
0x48: {  	_ =	shalt  }
0x49: {  	_ =	shalt  }
0x4a: {  	_ =	shalt  }
0x4b: {  	_ =	shalt  }
0x4c: {  	_ =	shalt  }
0x4d: {  	_ =	shalt  }
0x4e: {  	_ =	shalt  }
0x4f: {  	_ =	shalt  }
0x50: {  	_ =	shalt  }
0x51: {  	_ =	shalt  }
0x52: {  	_ =	shalt  }
0x53: {  	_ =	shalt  }
0x54: {  	_ =	shalt  }
0x55: {  	_ =	shalt  }
0x56: {  	_ =	shalt  }
0x57: {  	_ =	shalt  }
0x58: {  	_ =	shalt  }
0x59: {  	_ =	shalt  }
0x5a: {  	_ =	shalt  }
0x5b: {  	_ =	shalt  }
0x5c: {  	_ =	shalt  }
0x5d: {  	_ =	shalt  }
0x5e: {  	_ =	shalt  }
0x5f: {  	_ =	shalt  }
0x60: {  	_ =	shalt  }
0x61: {  	_ =	shalt  }
0x62: {  	_ =	shalt  }
0x63: {  	_ =	shalt  }
0x64: {  	_ =	shalt  }
0x65: {  	_ =	shalt  }
0x66: {  	_ =	shalt  }
0x67: {  	_ =	shalt  }
0x68: {  	_ =	shalt  }
0x69: {  	_ =	shalt  }
0x6a: {  	_ =	shalt  }
0x6b: {  	_ =	shalt  }
0x6c: {  	_ =	shalt  }
0x6d: {  	_ =	shalt  }
0x6e: {  	_ =	shalt  }
0x6f: {  	_ =	shalt  }
0x70: {  	_ =	shalt  }
0x71: {  	_ =	shalt  }
0x72: {  	_ =	shalt  }
0x73: {  	_ =	shalt  }
0x74: {  	_ =	shalt  }
0x75: {  	_ =	shalt  }
0x76: {  	_ =	shalt  }
0x77: {  	_ =	shalt  }
0x78: {  	_ =	shalt  }
0x79: {  	_ =	shalt  }
0x7a: {  	_ =	shalt  }
0x7b: {  	_ =	shalt  }
0x7c: {  	_ =	shalt  }
0x7d: {  	_ =	shalt  }
0x7e: {  	_ =	shalt  }
0x7f: {  	_ =	shalt  }
0x80: {  	_ =	shalt  }
0x81: {  	_ =	shalt  }
0x82: {  	_ =	shalt  }
0x83: {  	_ =	shalt  }
0x84: {  	_ =	shalt  }
0x85: {  	_ =	shalt  }
0x86: {  	_ =	shalt  }
0x87: {  	_ =	shalt  }
.Lfunc_end0:
.L_simem_size_0:
called_computation_lowered:
.L_overlay_start_0:
0x88: {  	s2 =	sld [smem:$0x3FD9]  }
0x89: {  	s3 =	sld [smem:$0x3FFE];
	_ =	sdelay $0x1  }
0x8a: {  	s1 =	srdreg.scid  }
0x8b: {  	s0 =	sand.u32 $0x1, s1  }
0x8c: {  	s17 =	sshll.u32 s0, $0xA;
	s2 =	sadd.s32 s3, s2  }
0x8d: {  	s2 =	sadd.s32 s2, s17  }
0x8e: {  	[smem:$0x3FC0] =	sst s2  }
0x8f: {  	_ = 	snop  }
0x90: {  	s2 =	sld [smem:$0x3FD0];
	(tm) =	ssettm $0x1  }
0x91: {  	s18 =	sld [smem:$0x3FFB];
	_ =	sdelay $0x3  }
0x92: {  	_ =	strace s18  }
0x93: {  	s3 =	sld [smem:$0x3FFC];
	_ =	sdelay $0x3  }
0x94: {  	_ =	strace s3  }
0x95: {  	s3 =	sld [smem:$0x3FFD];
	_ =	sdelay $0x3  }
0x96: {  	_ =	strace s3  }
0x97: {  	_ =	strace $0x8FFFFFFF  }
0x98: {  	s19 =	sld [smem:$0x3FDB];
	_ =	sdelay $0x1  }
0x99: {  	s4 =	simm.s32 $_scs_section_size  }
0x9a: {  	s5 =	simm.s32 $_size__tile_overlayer_lowered;
	s6 =	simm.s32 $_tile_overlayer_lowered  }
0x9b: {  	s22 =	simm.s32 $0x1BFF;
	s21 =	sshll.u32 s6, $0x1;
	s3 =	sadd.s32 s4, s19  }
0x9c: {  	s7 =	simm.s32 $0x0;
	s20 =	sshll.u32 s5, $0x1;
	s5 =	sadd.s32 s21, s3  }
0x9d: {  	[timem:s7], [sflag:s22] =	dma.local [hbm:s5], s20  }
0x9e: {  	_ =	swait.ge [sflag:s22], s20  }
0x9f: {  	s4 =	ssub.s32 $0x0, s20;
	[sflag:s22] =	ssyncset.done $0x0  }
0xa0: {  	[sflag:s22] =	ssyncadd.s32 s4;
	_ =	sdelay $0x1  }
0xa1: {  	s23 =	simm.s32 $0x1B8B  }
0xa2: {  	_ =	swait.ge [sflag:s23], $0x1  }
0xa3: {  	[sflag:s23] =	ssyncset.done $0x0  }
0xa4: {  	s25 =	simm.s32 $0x1B8E;
	s24 =	sld [smem:$0x3FFE];
	[sflag:s23] =	ssyncadd.s32 $0xFFFFFFFF  }
0xa5: {  	s26 =	simm.s32 $execute0_lowered;
	[smem:$0x3FD2] =	sst s25  }
0xa6: {  	s5 =	sshll.u32 s26, $0x1;
	_ =	strace $0x80000046;
	[dreg:$0x1] =	wrdreg $0xFFFFFFFF  }
0xa7: {  	s28 =	simm.s32 $_size_execute0_lowered;
	s3 =	sadd.s32 s3, s5;
	[dreg:$0x0] =	wrdreg $0x0  }
0xa8: {  	s5 =	sshll.u32 s28, $0x1;
	[dreg:$0x2] =	wrdreg s3  }
0xa9: {  	[dreg:$0x3] =	wrdreg s5  }
0xaa: {  	[dreg:$0x4] =	wrdreg $0xC0  }
0xab: {  	_ =	task [dreg:s7], $0x5FFFF  }
0xac: {  	[dreg:$0x1] =	wrdreg $0xFFFFFFFF  }
0xad: {  	[dreg:$0x0] =	wrdreg $0x60  }
0xae: {  	[dreg:$0x2] =	wrdreg s2  }
0xaf: {  	[dreg:$0x3] =	wrdreg s24  }
0xb0: {  	[dreg:$0x4] =	wrdreg $0x2C000  }
0xb1: {  	[dreg:$0x5] =	wrdreg $0x9  }
0xb2: {  	_ =	task.clear_ibuf [dreg:s7], $0x6FFFF;
	_ =	strace $0x90000046  }
0xb3: {  	s29 =	simm.s32 $0x9;
	_ =	strace $0x80000048  }
0xb4: {  	_ =	swait.ge [sflag:s29], $0x1  }
0xb5: {  	[sflag:s29] =	ssyncadd.s32 $0xFFFFFFFF  }
0xb6: {  	_ =	strace $0x90000048  }
0xb7: {  	_ =	sfence  }
0xb8: {  	s30 =	sld [smem:$0x0];
	_ =	sdelay $0x2  }
0xb9: {  	s31 =	sshll.u32 s1, $0xD;
	s1 =	sshrl.u32 s1, $0x2  }
0xba: {  	s3 =	sand.u32 $0x4000, s31;
	s1 =	sadd.s32 s1, s30  }
0xbb: {  	s0 =	sor.u32 s3, s0;
	s1 =	sshll.u32 s1, $0x11  }
0xbc: {  	s0 =	sor.u32 s1, s0  }
0xbd: {  	s0 =	sadd.s32 $0x8F2B, s0  }
0xbe: {  	[sflag:s0] =	ssyncadd.remote.s32 $0x1  }
0xbf: {  	_ =	sfence.sel $0xFFFF  }
0xc0: {  	[dreg:$0x0] =	wrdreg $0xFFFFFFFF;
	(pc) =	sbr.abs _section_cstart, $3  }
0xc1: {  	[dreg:$0x1] =	wrdreg $0xFFFFFFFF  }
0xc2: {  	_ =	task.clear_ibuf [dreg:s7], $0x2FFFF;
	_ =	strace $0x9FFFFFFF  }
0xc3: {  	(tm) =	ssettm $0x7FFFFFFF  }
tec
execute0_lowered:
.L_overlay_start_1:
0x0: {  	(tag) =	ssettag $0x1  }
0x1: {  	s6 =	rddreg [dreg:$0x0]  }
0x2: {  	s7 =	rddreg [dreg:$0x1]  }
0x3: {  	s2 =	rddreg [dreg:$0x2]  }
0x4: {  	s0 =	rddreg [dreg:$0x3]  }
0x5: {  	s4 =	srdreg.scid;
	s1 =	stileid.u32;
	s3 =	simm.s32 $0x0  }
0x6: {  	s13 =	simm.s32 $0x80;
	s14 =	simm.s32 $0x0;
	s5 =	sand.u32 $0x1, s4  }
0x7: {  	s8 =	smul.u32 $0x1400, s1;
	[smem:$0x7FF] =	sst s3;
	s4 =	sadd.s32 $0x2400, s7  }
0x8: {  	s31 =	sshll.u32 s1, $0x6;
	s9 =	smul.u32 $0x14000, s5;
	_ =	strace $0x80000047  }
0x9: {  	s10 =	sshll.u32 s5, $0x4;
	s11 =	ssub.s32 $0x2, s5;
	s5 =	sadd.s32 $0x2000, s7  }
0xa: {  	s10 =	sor.u32 s1, s10;
	s30 =	sshrl.u32 s11, $0x1;
	s9 =	sadd.s32 s8, s9  }
0xb: {  	s12 =	sadd.s32 s8, s2;
	s10 =	smul.u32 $0x500, s10;
	s9 =	sshrl.u32 s9, $0x3  }
0xc: {  	s12 =	sshrl.u32 s12, $0x3;
	s7 =	sadd.s32 s9, s7;
	s9 =	ssub.s32 s11, s30  }
0xd: {  	s6 =	sadd.s32 s6, s10;
	s10 =	simm.s32 $0x2800;
	s11 =	sor.u32 $0x1C01, s31  }
0xe: {  	s7 =	sadd.s32 $0x2600, s7;
	s8 =	smax.u32 s9, $0x1;
	s9 =	simm.s32 $0x1  }
.LBB2_1:
0xf: {  	[tilespmem:s3], [sflag:$0x1] =	stream.linear.gather [hbm4b:s6+s3], $0x2800, $0x38;
	[tilespmem:$0x4000] =	vst v63  }
0x10: {  	_ =	swait.ge [sflag:s9], $0x2800  }
0x11: {  	[sflag:s9] =	ssyncset.done $0x0  }
0x12: {  	[sflag:s9] =	ssyncadd.s32 $0xFFFFD800  }
0x13: {  	[tilespmem:s10], [sflag:$0x1] =	stream.linear.gather [hbm4b:s4+s3], $0x400, $0x38;
	[tilespmem:$0x4000] =	vst v63  }
0x14: {  	_ =	swait.ge [sflag:s9], $0x400  }
0x15: {  	[sflag:s9] =	ssyncset.done $0x0  }
0x16: {  	[sflag:s9] =	ssyncadd.s32 $0xFFFFFC00  }
0x17: {  	[spmem:s12], [sflag:s11] =	dma.local [hbm:s5], $0x280  }
0x18: {  	_ =	swait.ge [sflag:s9], $0x280  }
0x19: {  	[sflag:s9] =	ssyncset.done $0x0  }
0x1a: {  	[sflag:s9] =	ssyncadd.s32 $0xFFFFFD80  }
0x1b: {  	s15 =	simm.s32 $0x0;
	[bflag:$0x0] =	sbarrier.arrive $0xFFFF  }
0x1c: {  	[spmem:s2] =	stream.indirect.scatter.add.f32 [tilespmem:s10], [sflag:$0x1], $0x8, s15, s13, $0xb8;
	[tilespmem:$0x4000] =	vst v63  }
0x1d: {  	_ =	swait.ge [sflag:s9], $0x400  }
0x1e: {  	s15 =	simm.s32 $0x200;
	[sflag:s9] =	ssyncset.done $0x0  }
.LBB2_2:
0x1f: {  	s16 =	sshra.s32 s15, $0x2;
	[sflag:s9] =	ssyncadd.s32 $0xFFFFFC00;
	p0 =	sne.s32 s15, $0x9E00  }
0x20: {  	[spmem:s2] =	stream.indirect.scatter.add.f32 [tilespmem:s10], [sflag:$0x1], $0x8, s16, s13, $0xb8;
	[tilespmem:$0x4000] =	vst v63  }
.Ltmp0:
0x21: {  	_ = 	snop;
	(pc) =	sbr.rel @p0 .LBB2_2-.Ltmp0, $4  }
0x22: {  	_ = 	snop  }
0x23: {  	s15 =	sadd.s32 $0x200, s15  }
0x24: {  	_ =	swait.ge [sflag:s9], $0x400  }
0x25: {  	[sflag:s9] =	ssyncset.done $0x0  }
0x26: {  	s14 =	sadd.s32 $0x1, s14  }
0x27: {  	[sflag:s9] =	ssyncadd.s32 $0xFFFFFC00;
	p0 =	sne.s32 s14, s8  }
.Ltmp1:
0x28: {  	[bflag:$0x0] =	sbarrier.arrive $0xFFFF;
	(pc) =	sbr.rel @p0 .LBB2_1-.Ltmp1, $4  }
0x29: {  	[hbm:s7], [sflag:s11] =	dma.local [spmem:s12], $0x280  }
0x2a: {  	_ =	swait.ge [sflag:s9], $0x280  }
0x2b: {  	[sflag:s9] =	ssyncset.done $0x0  }
0x2c: {  	[sflag:s9] =	ssyncadd.s32 $0xFFFFFD80  }
0x2d: {  	_ =	sfence.sel $0x180000  }
0x2e: {  	[bflag:$0x0] =	sbarrier.arrive $0xFFFF  }
0x2f: {  	p0 =	sne.s32 s1, $0x0;
	_ =	strace $0x90000047  }
0x30: {  	s0 =	sadd.s32 @!p0 $0x100000, s0;
	[bflag:$0x2] =	sbarrier.arrive $0xFFFF  }
0x31: {  	[sflag:s0] =	ssyncadd.tile.s32 @!p0 $0x1;
	_ =	shalt  }
.Lfunc_end2:
_tile_overlayer_lowered:
.L_overlay_start_2:
0x32: {  	(tag) =	ssettag $0x2  }
0x33: {  	s0 =	rddreg [dreg:$0x0];
	s2 =	stileid.u32  }
0x34: {  	s1 =	rddreg [dreg:$0x1];
	p0 =	sne.s32 s2, $0x0  }
0x35: {  	s3 =	rddreg [dreg:$0x2];
	[bflag:$0x3] =	sbarrier.arrive $0xFFFF;
	s2 =	simm.s32 @!p0 $0x1C01  }
0x36: {  	[timem:s3], [sflag:s2] =	dma.local @!p0 [hbm:s0], s1  }
0x37: {  	s0 =	simm.s32 @!p0 $0x1  }
0x38: {  	_ =	swait.ge @!p0 [sflag:s0], s1  }
0x39: {  	s1 =	ssub.s32 @!p0 $0x0, s1;
	[sflag:s0] =	ssyncset.done @!p0 $0x0  }
0x3a: {  	[sflag:s0] =	ssyncadd.s32 @!p0 s1  }
0x3b: {  	[bflag:$0x3] =	sbarrier.arrive $0xFFFF  }
0x3c: {  	_ =	shalt  }

// kernel: kernel.13.cloned.1.call-start
scs
__scs_entry_jumppad:
0x0: {  	(pc) =	sbr.rel $0x88, $3  }
0x1: {  	(tag) =	ssettag $0x0;
	lr =	simm.s32 $0x1  }
0x2: {  	[smem:$0x3F99] =	sst lr;
	_ =	strace $0xD0000000  }
0x3: {  	_ = 	snop  }
0x4: {  	_ = 	snop  }
0x5: {  	_ = 	snop  }
0x6: {  	_ = 	snop  }
0x7: {  	_ = 	snop  }
__scs_overlays_trampoline_lowered:
0x8: {  	[smem:$0x3FA8] =	sst s0  }
0x9: {  	[smem:$0x3FA9] =	sst s1  }
0xa: {  	[smem:$0x3FAA] =	sst s2  }
0xb: {  	[smem:$0x3FAB] =	sst s3  }
0xc: {  	[smem:$0x3FAC] =	sst s4  }
0xd: {  	[smem:$0x3FAD] =	sst s5  }
0xe: {  	[smem:$0x3FAE] =	sst s6  }
0xf: {  	[smem:$0x3FAF] =	sst s7  }
0x10: {  	[smem:$0x3FB0] =	sst s8  }
0x11: {  	[smem:$0x3FB1] =	sst s9;
	s0 =	simm.s32 @!p0 $0x0  }
0x12: {  	s1 =	sld [smem:$0x3F97];
	s0 =	simm.s32 @p0 $0x1  }
0x13: {  	[smem:$0x3FB2] =	sst s0;
	s0 =	simm.s32 @!p1 $0x0  }
0x14: {  	s2 =	sld [smem:$0x3F96];
	s0 =	simm.s32 @p1 $0x1  }
0x15: {  	[smem:$0x3FB3] =	sst s0;
	s0 =	simm.s32 @!p2 $0x0  }
0x16: {  	s3 =	sld [smem:$0x3FDB];
	s0 =	simm.s32 @p2 $0x1  }
0x17: {  	s4 =	simm.s32 $0x1BF5;
	[smem:$0x3FB5] =	sst s0  }
0x18: {  	s0 =	sld [smem:$0x3F98];
	_ =	swait.ge [sflag:s4], $0x0  }
0x19: {  	s7 =	sld [smem:$0x3F99]  }
0x1a: {  	s8 =	sadd.s32 $0xFFFFE003, lr  }
0x1b: {  	s9 =	sadd.s32 $0xFFFFFEF7, lr;
	s5 =	simm.s32 $0xFFFFFFFF;
	p2 =	slt.u32 s8, $0xFFFFF086  }
0x1c: {  	p1 =	slt.u32 s9, $0xF7A;
	s5 =	simm.s32 @!p2 $0x0  }
0x1d: {  	s5 =	simm.s32 @p1 $0x1;
	p0 =	seq.s32 s7, s2  }
0x1e: {  	s7 =	smul.u32 @!p0 $0xF7A, s2;
	p2 =	seq.s32 @!p0 s5, $0x0  }
0x1f: {  	s9 =	smul.u32 $0xF7A, s1;
	s8 =	simm.s32 @!p0 $0x1BF5;
	p2 =	por !p2, p0  }
0x20: {  	[sflag:s8] =	ssyncset.s32 @!p0 $0xFFFFF086;
	s6 =	sadd.s32 @!p0 s3, s7;
	s7 =	simm.s32 @!p0 $0x108  }
0x21: {  	s3 =	sadd.s32 s3, s9;
	s6 =	sadd.s32 @!p0 $0x88, s6;
	s7 =	simm.s32 @p2 $0x1082  }
0x22: {  	[simem:s7], [sflag:s8] =	dma.local @!p0 [hbm:s6], $0xF7A  }
0x23: {  	s9 =	sor.u32 $0xD0000000, s2;
	s6 =	simm.s32 $0x108;
	_ =	swait.ge @!p0 [sflag:s8], $0x0  }
0x24: {  	s3 =	sadd.s32 $0x88, s3;
	s6 =	simm.s32 @!p1 $0x1082;
	[sflag:s4] =	ssyncset.s32 $0xFFFFF086  }
0x25: {  	[simem:s6], [sflag:s4] =	dma.local [hbm:s3], $0xF7A  }
0x26: {  	[smem:$0x3F99] =	sst s1;
	(tag) =	ssettag s2;
	_ =	strace s9  }
0x27: {  	s1 =	sld [smem:$0x3FA9]  }
0x28: {  	s2 =	sld [smem:$0x3FAA]  }
0x29: {  	s4 =	sld [smem:$0x3FAC]  }
0x2a: {  	p0 =	seq.s32 s5, $0x0;
	s5 =	sld [smem:$0x3FAD]  }
0x2b: {  	s6 =	sld [smem:$0x3FAE]  }
0x2c: {  	s7 =	sld [smem:$0x3FAF]  }
0x2d: {  	s3 =	simm.s32 $0x108;
	s8 =	sld [smem:$0x3FB0]  }
0x2e: {  	s3 =	simm.s32 @!p0 $0x1082;
	s9 =	sld [smem:$0x3FB1]  }
0x2f: {  	lr =	sadd.s32 s0, s3;
	s0 =	sld [smem:$0x3FA8]  }
0x30: {  	s3 =	sld [smem:$0x3FAB]  }
0x31: {  	[smem:$0x3FB4] =	sst s10  }
0x32: {  	s10 =	sld [smem:$0x3FB2];
	_ =	sdelay $0x3  }
0x33: {  	p0 =	seq.s32 s10, $0x1;
	s10 =	sld [smem:$0x3FB4];
	_ =	sdelay $0x3  }
0x34: {  	[smem:$0x3FB4] =	sst s10  }
0x35: {  	s10 =	sld [smem:$0x3FB3];
	_ =	sdelay $0x3  }
0x36: {  	p1 =	seq.s32 s10, $0x1;
	s10 =	sld [smem:$0x3FB4];
	_ =	sdelay $0x3  }
0x37: {  	[smem:$0x3FB4] =	sst s10  }
0x38: {  	s10 =	sld [smem:$0x3FB5]  }
0x39: {  	_ = 	snop;
	(pc) =	sbr.ind lr, $3  }
0x3a: {  	_ = 	snop  }
0x3b: {  	_ = 	snop  }
0x3c: {  	p2 =	seq.s32 s10, $0x1;
	s10 =	sld [smem:$0x3FB4]  }
0x3d: {  	_ =	shalt  }
0x3e: {  	_ =	shalt  }
0x3f: {  	_ =	shalt  }
0x40: {  	_ =	shalt  }
0x41: {  	_ =	shalt  }
0x42: {  	_ =	shalt  }
0x43: {  	_ =	shalt  }
0x44: {  	_ =	shalt  }
0x45: {  	_ =	shalt  }
0x46: {  	_ =	shalt  }
0x47: {  	_ =	shalt  }
0x48: {  	_ =	shalt  }
0x49: {  	_ =	shalt  }
0x4a: {  	_ =	shalt  }
0x4b: {  	_ =	shalt  }
0x4c: {  	_ =	shalt  }
0x4d: {  	_ =	shalt  }
0x4e: {  	_ =	shalt  }
0x4f: {  	_ =	shalt  }
0x50: {  	_ =	shalt  }
0x51: {  	_ =	shalt  }
0x52: {  	_ =	shalt  }
0x53: {  	_ =	shalt  }
0x54: {  	_ =	shalt  }
0x55: {  	_ =	shalt  }
0x56: {  	_ =	shalt  }
0x57: {  	_ =	shalt  }
0x58: {  	_ =	shalt  }
0x59: {  	_ =	shalt  }
0x5a: {  	_ =	shalt  }
0x5b: {  	_ =	shalt  }
0x5c: {  	_ =	shalt  }
0x5d: {  	_ =	shalt  }
0x5e: {  	_ =	shalt  }
0x5f: {  	_ =	shalt  }
0x60: {  	_ =	shalt  }
0x61: {  	_ =	shalt  }
0x62: {  	_ =	shalt  }
0x63: {  	_ =	shalt  }
0x64: {  	_ =	shalt  }
0x65: {  	_ =	shalt  }
0x66: {  	_ =	shalt  }
0x67: {  	_ =	shalt  }
0x68: {  	_ =	shalt  }
0x69: {  	_ =	shalt  }
0x6a: {  	_ =	shalt  }
0x6b: {  	_ =	shalt  }
0x6c: {  	_ =	shalt  }
0x6d: {  	_ =	shalt  }
0x6e: {  	_ =	shalt  }
0x6f: {  	_ =	shalt  }
0x70: {  	_ =	shalt  }
0x71: {  	_ =	shalt  }
0x72: {  	_ =	shalt  }
0x73: {  	_ =	shalt  }
0x74: {  	_ =	shalt  }
0x75: {  	_ =	shalt  }
0x76: {  	_ =	shalt  }
0x77: {  	_ =	shalt  }
0x78: {  	_ =	shalt  }
0x79: {  	_ =	shalt  }
0x7a: {  	_ =	shalt  }
0x7b: {  	_ =	shalt  }
0x7c: {  	_ =	shalt  }
0x7d: {  	_ =	shalt  }
0x7e: {  	_ =	shalt  }
0x7f: {  	_ =	shalt  }
0x80: {  	_ =	shalt  }
0x81: {  	_ =	shalt  }
0x82: {  	_ =	shalt  }
0x83: {  	_ =	shalt  }
0x84: {  	_ =	shalt  }
0x85: {  	_ =	shalt  }
0x86: {  	_ =	shalt  }
0x87: {  	_ =	shalt  }
.Lfunc_end0:
.L_simem_size_0:
called_computation.1_lowered:
.L_overlay_start_0:
0x88: {  	s2 =	sld [smem:$0x3FD9]  }
0x89: {  	s3 =	sld [smem:$0x3FFE];
	_ =	sdelay $0x1  }
0x8a: {  	s1 =	srdreg.scid  }
0x8b: {  	s0 =	sand.u32 $0x1, s1  }
0x8c: {  	s17 =	sshll.u32 s0, $0xA;
	s2 =	sadd.s32 s3, s2  }
0x8d: {  	s2 =	sadd.s32 s2, s17  }
0x8e: {  	[smem:$0x3FC0] =	sst s2  }
0x8f: {  	_ = 	snop  }
0x90: {  	s2 =	sld [smem:$0x3FD0];
	(tm) =	ssettm $0x1  }
0x91: {  	s18 =	sld [smem:$0x3FFB];
	_ =	sdelay $0x3  }
0x92: {  	_ =	strace s18  }
0x93: {  	s3 =	sld [smem:$0x3FFC];
	_ =	sdelay $0x3  }
0x94: {  	_ =	strace s3  }
0x95: {  	s3 =	sld [smem:$0x3FFD];
	_ =	sdelay $0x3  }
0x96: {  	_ =	strace s3  }
0x97: {  	_ =	strace $0x8FFFFFFF  }
0x98: {  	s19 =	sld [smem:$0x3FDB];
	_ =	sdelay $0x1  }
0x99: {  	s4 =	simm.s32 $_scs_section_size  }
0x9a: {  	s5 =	simm.s32 $_size__tile_overlayer_lowered;
	s6 =	simm.s32 $_tile_overlayer_lowered  }
0x9b: {  	s22 =	simm.s32 $0x1BFF;
	s21 =	sshll.u32 s6, $0x1;
	s3 =	sadd.s32 s4, s19  }
0x9c: {  	s7 =	simm.s32 $0x0;
	s20 =	sshll.u32 s5, $0x1;
	s5 =	sadd.s32 s21, s3  }
0x9d: {  	[timem:s7], [sflag:s22] =	dma.local [hbm:s5], s20  }
0x9e: {  	_ =	swait.ge [sflag:s22], s20  }
0x9f: {  	s4 =	ssub.s32 $0x0, s20;
	[sflag:s22] =	ssyncset.done $0x0  }
0xa0: {  	[sflag:s22] =	ssyncadd.s32 s4;
	_ =	sdelay $0x1  }
0xa1: {  	s23 =	simm.s32 $0x1B8B  }
0xa2: {  	_ =	swait.ge [sflag:s23], $0x1  }
0xa3: {  	[sflag:s23] =	ssyncset.done $0x0  }
0xa4: {  	s25 =	simm.s32 $0x1B8E;
	s24 =	sld [smem:$0x3FFE];
	[sflag:s23] =	ssyncadd.s32 $0xFFFFFFFF  }
0xa5: {  	s26 =	simm.s32 $execute0_lowered;
	[smem:$0x3FD2] =	sst s25  }
0xa6: {  	s5 =	sshll.u32 s26, $0x1;
	_ =	strace $0x80000049;
	[dreg:$0x1] =	wrdreg $0xFFFFFFFF  }
0xa7: {  	s28 =	simm.s32 $_size_execute0_lowered;
	s3 =	sadd.s32 s3, s5;
	[dreg:$0x0] =	wrdreg $0x0  }
0xa8: {  	s5 =	sshll.u32 s28, $0x1;
	[dreg:$0x2] =	wrdreg s3  }
0xa9: {  	[dreg:$0x3] =	wrdreg s5  }
0xaa: {  	[dreg:$0x4] =	wrdreg $0xC0  }
0xab: {  	_ =	task [dreg:s7], $0x5FFFF  }
0xac: {  	[dreg:$0x1] =	wrdreg $0xFFFFFFFF  }
0xad: {  	[dreg:$0x0] =	wrdreg $0x60  }
0xae: {  	[dreg:$0x2] =	wrdreg s24  }
0xaf: {  	[dreg:$0x3] =	wrdreg s2  }
0xb0: {  	[dreg:$0x4] =	wrdreg $0x140000  }
0xb1: {  	[dreg:$0x5] =	wrdreg $0x9  }
0xb2: {  	_ =	task.clear_ibuf [dreg:s7], $0x6FFFF;
	_ =	strace $0x90000049  }
0xb3: {  	s29 =	simm.s32 $0x9;
	_ =	strace $0x8000004B  }
0xb4: {  	_ =	swait.ge [sflag:s29], $0x1  }
0xb5: {  	[sflag:s29] =	ssyncadd.s32 $0xFFFFFFFF  }
0xb6: {  	_ =	strace $0x9000004B  }
0xb7: {  	_ =	sfence  }
0xb8: {  	s30 =	sld [smem:$0x0];
	_ =	sdelay $0x2  }
0xb9: {  	s31 =	sshll.u32 s1, $0xD;
	s1 =	sshrl.u32 s1, $0x2  }
0xba: {  	s3 =	sand.u32 $0x4000, s31;
	s1 =	sadd.s32 s1, s30  }
0xbb: {  	s0 =	sor.u32 s3, s0;
	s1 =	sshll.u32 s1, $0x11  }
0xbc: {  	s0 =	sor.u32 s1, s0  }
0xbd: {  	s0 =	sadd.s32 $0x8F2B, s0  }
0xbe: {  	[sflag:s0] =	ssyncadd.remote.s32 $0x1  }
0xbf: {  	_ =	sfence.sel $0xFFFF  }
0xc0: {  	[dreg:$0x0] =	wrdreg $0xFFFFFFFF;
	(pc) =	sbr.abs _section_cstart, $3  }
0xc1: {  	[dreg:$0x1] =	wrdreg $0xFFFFFFFF  }
0xc2: {  	_ =	task.clear_ibuf [dreg:s7], $0x2FFFF;
	_ =	strace $0x9FFFFFFF  }
0xc3: {  	(tm) =	ssettm $0x7FFFFFFF  }
tec
execute0_lowered:
.L_overlay_start_1:
0x0: {  	(tag) =	ssettag $0x1  }
0x1: {  	s5 =	rddreg [dreg:$0x0]  }
0x2: {  	s0 =	srdreg.scid;
	s6 =	rddreg [dreg:$0x1]  }
0x3: {  	s2 =	rddreg [dreg:$0x2];
	s4 =	sand.u32 $0x1, s0  }
0x4: {  	s0 =	stileid.u32;
	s7 =	smul.u32 $0x14000, s4  }
0x5: {  	s1 =	rddreg [dreg:$0x3];
	s3 =	simm.s32 $0x0;
	s8 =	smul.u32 $0xA000, s0  }
0x6: {  	s14 =	simm.s32 $0x280;
	s15 =	simm.s32 $0xA000;
	s9 =	smul.u32 $0xA0000, s4  }
0x7: {  	s16 =	simm.s32 $0x0;
	[smem:$0x7FF] =	sst s3;
	s10 =	smul.u32 $0xA00, s0  }
0x8: {  	_ =	strace $0x8000004A;
	s12 =	ssub.s32 $0x2, s4;
	s4 =	sadd.s32 $0x2000, s5  }
0x9: {  	s31 =	sshll.u32 s0, $0x6;
	s30 =	sshrl.u32 s12, $0x1;
	s7 =	sadd.s32 s7, s5  }
0xa: {  	s9 =	sadd.s32 s8, s9;
	s11 =	sadd.s32 s10, s5;
	s12 =	ssub.s32 s12, s30  }
0xb: {  	s6 =	sadd.s32 s6, s10;
	s13 =	sadd.s32 s8, s2;
	s10 =	simm.s32 $0x1  }
0xc: {  	s9 =	sshrl.u32 s9, $0x3;
	s7 =	sadd.s32 $0x61600, s7;
	s13 =	sshrl.u32 s13, $0x3  }
0xd: {  	s9 =	sadd.s32 s9, s5;
	s5 =	sadd.s32 $0x7600, s11;
	s11 =	simm.s32 $0x5000  }
0xe: {  	s8 =	sadd.s32 $0x11600, s9;
	s9 =	smax.u32 s12, $0x1;
	s12 =	sor.u32 $0x1C01, s31  }
.LBB2_1:
0xf: {  	[tilespmem:s3], [sflag:$0x1] =	stream.linear.gather [hbm4b:s5+s3], $0x5000, $0x38;
	[tilespmem:$0x1E000] =	vst v63  }
0x10: {  	_ =	swait.ge [sflag:s10], $0x5000  }
0x11: {  	[sflag:s10] =	ssyncset.done $0x0  }
0x12: {  	[sflag:s10] =	ssyncadd.s32 $0xFFFFB000  }
0x13: {  	[tilespmem:s11], [sflag:$0x1] =	stream.linear.gather [hbm4b:s6+s3], $0x5000, $0x38;
	[tilespmem:$0x1E000] =	vst v63  }
0x14: {  	_ =	swait.ge [sflag:s10], $0x5000  }
0x15: {  	[sflag:s10] =	ssyncset.done $0x0  }
0x16: {  	[sflag:s10] =	ssyncadd.s32 $0xFFFFB000  }
0x17: {  	[spmem:s13], [sflag:s12] =	dma.local [hbm:s4], $0x1400  }
0x18: {  	_ =	swait.ge [sflag:s10], $0x1400  }
0x19: {  	[sflag:s10] =	ssyncset.done $0x0  }
0x1a: {  	[sflag:s10] =	ssyncadd.s32 $0xFFFFEC00  }
0x1b: {  	s17 =	simm.s32 $0x0;
	[bflag:$0x0] =	sbarrier.arrive $0xFFFF  }
0x1c: {  	[tilespmem:s15], [sflag:$0x1] =	stream.indirect.gather [hbm4b:s7+s14], $0x40, s17, s14, $0xb8;
	[tilespmem:$0x1E000] =	vst v63  }
0x1d: {  	_ =	swait.ge [sflag:s10], $0xA000  }
0x1e: {  	[sflag:s10] =	ssyncset.done $0x0  }
0x1f: {  	s31 =	simm.s32 $0x5000;
	[sflag:s10] =	ssyncadd.s32 $0xFFFF6000  }
0x20: {  	[spmem:s2] =	stream.indirect.scatter.add.f32 [tilespmem:s15], [sflag:$0x1], $0x40, s31, s14, $0xb8;
	[tilespmem:$0x1E000] =	vst v63  }
0x21: {  	_ =	swait.ge [sflag:s10], $0xA000  }
0x22: {  	s18 =	simm.s32 $0x1400;
	s17 =	simm.s32 $0xA00;
	[sflag:s10] =	ssyncset.done $0x0  }
.LBB2_2:
0x23: {  	s19 =	sshra.s32 s17, $0x2  }
0x24: {  	[sflag:s10] =	ssyncadd.s32 $0xFFFF6000;
	s17 =	smov.u32 s18;
	s20 =	sadd.s32 $0xA00, s18  }
0x25: {  	[tilespmem:s15], [sflag:$0x1] =	stream.indirect.gather [hbm4b:s7+s14], $0x40, s19, s14, $0xb8;
	[tilespmem:$0x1E000] =	vst v63  }
0x26: {  	p0 =	sne.s32 s18, $0x13600;
	_ =	swait.ge [sflag:s10], $0xA000  }
.Ltmp0:
0x27: {  	[sflag:s10] =	ssyncset.done $0x0;
	(pc) =	sbr.rel @p0 .LBB2_2-.Ltmp0, $4  }
0x28: {  	s18 =	sadd.s32 $0x5000, s19;
	[sflag:s10] =	ssyncadd.s32 $0xFFFF6000  }
0x29: {  	[spmem:s2] =	stream.indirect.scatter.add.f32 [tilespmem:s15], [sflag:$0x1], $0x40, s18, s14, $0xb8;
	[tilespmem:$0x1E000] =	vst v63  }
0x2a: {  	_ =	swait.ge [sflag:s10], $0xA000  }
0x2b: {  	s18 =	smov.u32 s20;
	[sflag:s10] =	ssyncset.done $0x0  }
0x2c: {  	s17 =	sshra.s32 s17, $0x2;
	[sflag:s10] =	ssyncadd.s32 $0xFFFF6000  }
0x2d: {  	[tilespmem:s15], [sflag:$0x1] =	stream.indirect.gather [hbm4b:s7+s14], $0x40, s17, s14, $0xb8;
	[tilespmem:$0x1E000] =	vst v63  }
0x2e: {  	_ =	swait.ge [sflag:s10], $0xA000  }
0x2f: {  	[sflag:s10] =	ssyncset.done $0x0  }
0x30: {  	s17 =	sadd.s32 $0x5000, s17;
	[sflag:s10] =	ssyncadd.s32 $0xFFFF6000  }
0x31: {  	[spmem:s2] =	stream.indirect.scatter.add.f32 [tilespmem:s15], [sflag:$0x1], $0x40, s17, s14, $0xb8;
	[tilespmem:$0x1E000] =	vst v63  }
0x32: {  	_ =	swait.ge [sflag:s10], $0xA000  }
0x33: {  	s16 =	sadd.s32 $0x1, s16;
	[sflag:s10] =	ssyncset.done $0x0  }
0x34: {  	p0 =	sne.s32 s16, s9;
	[sflag:s10] =	ssyncadd.s32 $0xFFFF6000  }
.Ltmp1:
0x35: {  	[bflag:$0x0] =	sbarrier.arrive $0xFFFF;
	(pc) =	sbr.rel @p0 .LBB2_1-.Ltmp1, $4  }
0x36: {  	[hbm:s8], [sflag:s12] =	dma.local [spmem:s13], $0x1400  }
0x37: {  	_ =	swait.ge [sflag:s10], $0x1400  }
0x38: {  	[sflag:s10] =	ssyncset.done $0x0  }
0x39: {  	[sflag:s10] =	ssyncadd.s32 $0xFFFFEC00  }
0x3a: {  	_ =	sfence.sel $0x180000  }
0x3b: {  	[bflag:$0x0] =	sbarrier.arrive $0xFFFF  }
0x3c: {  	p0 =	sne.s32 s0, $0x0;
	_ =	strace $0x9000004A  }
0x3d: {  	s0 =	sadd.s32 @!p0 $0x100000, s1;
	[bflag:$0x2] =	sbarrier.arrive $0xFFFF  }
0x3e: {  	[sflag:s0] =	ssyncadd.tile.s32 @!p0 $0x1;
	_ =	shalt  }
.Lfunc_end2:
_tile_overlayer_lowered:
.L_overlay_start_2:
0x3f: {  	(tag) =	ssettag $0x2  }
0x40: {  	s0 =	rddreg [dreg:$0x0];
	s2 =	stileid.u32  }
0x41: {  	s1 =	rddreg [dreg:$0x1];
	p0 =	sne.s32 s2, $0x0  }
0x42: {  	s3 =	rddreg [dreg:$0x2];
	[bflag:$0x3] =	sbarrier.arrive $0xFFFF;
	s2 =	simm.s32 @!p0 $0x1C01  }
0x43: {  	[timem:s3], [sflag:s2] =	dma.local @!p0 [hbm:s0], s1  }
0x44: {  	s0 =	simm.s32 @!p0 $0x1  }
0x45: {  	_ =	swait.ge @!p0 [sflag:s0], s1  }
0x46: {  	s1 =	ssub.s32 @!p0 $0x0, s1;
	[sflag:s0] =	ssyncset.done @!p0 $0x0  }
0x47: {  	[sflag:s0] =	ssyncadd.s32 @!p0 s1  }
0x48: {  	[bflag:$0x3] =	sbarrier.arrive $0xFFFF  }
0x49: {  	_ =	shalt  }

// kernel: kernel.16.cloned.1.call-start
scs
__scs_entry_jumppad:
0x0: {  	(pc) =	sbr.rel $0x88, $3  }
0x1: {  	(tag) =	ssettag $0x0;
	lr =	simm.s32 $0x1  }
0x2: {  	[smem:$0x3F99] =	sst lr;
	_ =	strace $0xD0000000  }
0x3: {  	_ = 	snop  }
0x4: {  	_ = 	snop  }
0x5: {  	_ = 	snop  }
0x6: {  	_ = 	snop  }
0x7: {  	_ = 	snop  }
__scs_overlays_trampoline_lowered:
0x8: {  	[smem:$0x3FA8] =	sst s0  }
0x9: {  	[smem:$0x3FA9] =	sst s1  }
0xa: {  	[smem:$0x3FAA] =	sst s2  }
0xb: {  	[smem:$0x3FAB] =	sst s3  }
0xc: {  	[smem:$0x3FAC] =	sst s4  }
0xd: {  	[smem:$0x3FAD] =	sst s5  }
0xe: {  	[smem:$0x3FAE] =	sst s6  }
0xf: {  	[smem:$0x3FAF] =	sst s7  }
0x10: {  	[smem:$0x3FB0] =	sst s8  }
0x11: {  	[smem:$0x3FB1] =	sst s9;
	s0 =	simm.s32 @!p0 $0x0  }
0x12: {  	s1 =	sld [smem:$0x3F97];
	s0 =	simm.s32 @p0 $0x1  }
0x13: {  	[smem:$0x3FB2] =	sst s0;
	s0 =	simm.s32 @!p1 $0x0  }
0x14: {  	s2 =	sld [smem:$0x3F96];
	s0 =	simm.s32 @p1 $0x1  }
0x15: {  	[smem:$0x3FB3] =	sst s0;
	s0 =	simm.s32 @!p2 $0x0  }
0x16: {  	s3 =	sld [smem:$0x3FDB];
	s0 =	simm.s32 @p2 $0x1  }
0x17: {  	s4 =	simm.s32 $0x1BF5;
	[smem:$0x3FB5] =	sst s0  }
0x18: {  	s0 =	sld [smem:$0x3F98];
	_ =	swait.ge [sflag:s4], $0x0  }
0x19: {  	s7 =	sld [smem:$0x3F99]  }
0x1a: {  	s8 =	sadd.s32 $0xFFFFE003, lr  }
0x1b: {  	s9 =	sadd.s32 $0xFFFFFEF7, lr;
	s5 =	simm.s32 $0xFFFFFFFF;
	p2 =	slt.u32 s8, $0xFFFFF086  }
0x1c: {  	p1 =	slt.u32 s9, $0xF7A;
	s5 =	simm.s32 @!p2 $0x0  }
0x1d: {  	s5 =	simm.s32 @p1 $0x1;
	p0 =	seq.s32 s7, s2  }
0x1e: {  	s7 =	smul.u32 @!p0 $0xF7A, s2;
	p2 =	seq.s32 @!p0 s5, $0x0  }
0x1f: {  	s9 =	smul.u32 $0xF7A, s1;
	s8 =	simm.s32 @!p0 $0x1BF5;
	p2 =	por !p2, p0  }
0x20: {  	[sflag:s8] =	ssyncset.s32 @!p0 $0xFFFFF086;
	s6 =	sadd.s32 @!p0 s3, s7;
	s7 =	simm.s32 @!p0 $0x108  }
0x21: {  	s3 =	sadd.s32 s3, s9;
	s6 =	sadd.s32 @!p0 $0x88, s6;
	s7 =	simm.s32 @p2 $0x1082  }
0x22: {  	[simem:s7], [sflag:s8] =	dma.local @!p0 [hbm:s6], $0xF7A  }
0x23: {  	s9 =	sor.u32 $0xD0000000, s2;
	s6 =	simm.s32 $0x108;
	_ =	swait.ge @!p0 [sflag:s8], $0x0  }
0x24: {  	s3 =	sadd.s32 $0x88, s3;
	s6 =	simm.s32 @!p1 $0x1082;
	[sflag:s4] =	ssyncset.s32 $0xFFFFF086  }
0x25: {  	[simem:s6], [sflag:s4] =	dma.local [hbm:s3], $0xF7A  }
0x26: {  	[smem:$0x3F99] =	sst s1;
	(tag) =	ssettag s2;
	_ =	strace s9  }
0x27: {  	s1 =	sld [smem:$0x3FA9]  }
0x28: {  	s2 =	sld [smem:$0x3FAA]  }
0x29: {  	s4 =	sld [smem:$0x3FAC]  }
0x2a: {  	p0 =	seq.s32 s5, $0x0;
	s5 =	sld [smem:$0x3FAD]  }
0x2b: {  	s6 =	sld [smem:$0x3FAE]  }
0x2c: {  	s7 =	sld [smem:$0x3FAF]  }
0x2d: {  	s3 =	simm.s32 $0x108;
	s8 =	sld [smem:$0x3FB0]  }
0x2e: {  	s3 =	simm.s32 @!p0 $0x1082;
	s9 =	sld [smem:$0x3FB1]  }
0x2f: {  	lr =	sadd.s32 s0, s3;
	s0 =	sld [smem:$0x3FA8]  }
0x30: {  	s3 =	sld [smem:$0x3FAB]  }
0x31: {  	[smem:$0x3FB4] =	sst s10  }
0x32: {  	s10 =	sld [smem:$0x3FB2];
	_ =	sdelay $0x3  }
0x33: {  	p0 =	seq.s32 s10, $0x1;
	s10 =	sld [smem:$0x3FB4];
	_ =	sdelay $0x3  }
0x34: {  	[smem:$0x3FB4] =	sst s10  }
0x35: {  	s10 =	sld [smem:$0x3FB3];
	_ =	sdelay $0x3  }
0x36: {  	p1 =	seq.s32 s10, $0x1;
	s10 =	sld [smem:$0x3FB4];
	_ =	sdelay $0x3  }
0x37: {  	[smem:$0x3FB4] =	sst s10  }
0x38: {  	s10 =	sld [smem:$0x3FB5]  }
0x39: {  	_ = 	snop;
	(pc) =	sbr.ind lr, $3  }
0x3a: {  	_ = 	snop  }
0x3b: {  	_ = 	snop  }
0x3c: {  	p2 =	seq.s32 s10, $0x1;
	s10 =	sld [smem:$0x3FB4]  }
0x3d: {  	_ =	shalt  }
0x3e: {  	_ =	shalt  }
0x3f: {  	_ =	shalt  }
0x40: {  	_ =	shalt  }
0x41: {  	_ =	shalt  }
0x42: {  	_ =	shalt  }
0x43: {  	_ =	shalt  }
0x44: {  	_ =	shalt  }
0x45: {  	_ =	shalt  }
0x46: {  	_ =	shalt  }
0x47: {  	_ =	shalt  }
0x48: {  	_ =	shalt  }
0x49: {  	_ =	shalt  }
0x4a: {  	_ =	shalt  }
0x4b: {  	_ =	shalt  }
0x4c: {  	_ =	shalt  }
0x4d: {  	_ =	shalt  }
0x4e: {  	_ =	shalt  }
0x4f: {  	_ =	shalt  }
0x50: {  	_ =	shalt  }
0x51: {  	_ =	shalt  }
0x52: {  	_ =	shalt  }
0x53: {  	_ =	shalt  }
0x54: {  	_ =	shalt  }
0x55: {  	_ =	shalt  }
0x56: {  	_ =	shalt  }
0x57: {  	_ =	shalt  }
0x58: {  	_ =	shalt  }
0x59: {  	_ =	shalt  }
0x5a: {  	_ =	shalt  }
0x5b: {  	_ =	shalt  }
0x5c: {  	_ =	shalt  }
0x5d: {  	_ =	shalt  }
0x5e: {  	_ =	shalt  }
0x5f: {  	_ =	shalt  }
0x60: {  	_ =	shalt  }
0x61: {  	_ =	shalt  }
0x62: {  	_ =	shalt  }
0x63: {  	_ =	shalt  }
0x64: {  	_ =	shalt  }
0x65: {  	_ =	shalt  }
0x66: {  	_ =	shalt  }
0x67: {  	_ =	shalt  }
0x68: {  	_ =	shalt  }
0x69: {  	_ =	shalt  }
0x6a: {  	_ =	shalt  }
0x6b: {  	_ =	shalt  }
0x6c: {  	_ =	shalt  }
0x6d: {  	_ =	shalt  }
0x6e: {  	_ =	shalt  }
0x6f: {  	_ =	shalt  }
0x70: {  	_ =	shalt  }
0x71: {  	_ =	shalt  }
0x72: {  	_ =	shalt  }
0x73: {  	_ =	shalt  }
0x74: {  	_ =	shalt  }
0x75: {  	_ =	shalt  }
0x76: {  	_ =	shalt  }
0x77: {  	_ =	shalt  }
0x78: {  	_ =	shalt  }
0x79: {  	_ =	shalt  }
0x7a: {  	_ =	shalt  }
0x7b: {  	_ =	shalt  }
0x7c: {  	_ =	shalt  }
0x7d: {  	_ =	shalt  }
0x7e: {  	_ =	shalt  }
0x7f: {  	_ =	shalt  }
0x80: {  	_ =	shalt  }
0x81: {  	_ =	shalt  }
0x82: {  	_ =	shalt  }
0x83: {  	_ =	shalt  }
0x84: {  	_ =	shalt  }
0x85: {  	_ =	shalt  }
0x86: {  	_ =	shalt  }
0x87: {  	_ =	shalt  }
.Lfunc_end0:
.L_simem_size_0:
called_computation.2_lowered:
.L_overlay_start_0:
0x88: {  	s2 =	sld [smem:$0x3FD9]  }
0x89: {  	s3 =	sld [smem:$0x3FFE];
	_ =	sdelay $0x1  }
0x8a: {  	s1 =	srdreg.scid  }
0x8b: {  	s0 =	sand.u32 $0x1, s1  }
0x8c: {  	s17 =	sshll.u32 s0, $0xA;
	s2 =	sadd.s32 s3, s2  }
0x8d: {  	s2 =	sadd.s32 s2, s17  }
0x8e: {  	[smem:$0x3FC0] =	sst s2  }
0x8f: {  	_ = 	snop  }
0x90: {  	s2 =	sld [smem:$0x3FD0];
	(tm) =	ssettm $0x1  }
0x91: {  	s18 =	sld [smem:$0x3FFB];
	_ =	sdelay $0x3  }
0x92: {  	_ =	strace s18  }
0x93: {  	s3 =	sld [smem:$0x3FFC];
	_ =	sdelay $0x3  }
0x94: {  	_ =	strace s3  }
0x95: {  	s3 =	sld [smem:$0x3FFD];
	_ =	sdelay $0x3  }
0x96: {  	_ =	strace s3  }
0x97: {  	_ =	strace $0x8FFFFFFF  }
0x98: {  	s19 =	sld [smem:$0x3FDB];
	_ =	sdelay $0x1  }
0x99: {  	s4 =	simm.s32 $_scs_section_size  }
0x9a: {  	s5 =	simm.s32 $_size__tile_overlayer_lowered;
	s6 =	simm.s32 $_tile_overlayer_lowered  }
0x9b: {  	s22 =	simm.s32 $0x1BFF;
	s21 =	sshll.u32 s6, $0x1;
	s3 =	sadd.s32 s4, s19  }
0x9c: {  	s7 =	simm.s32 $0x0;
	s20 =	sshll.u32 s5, $0x1;
	s5 =	sadd.s32 s21, s3  }
0x9d: {  	[timem:s7], [sflag:s22] =	dma.local [hbm:s5], s20  }
0x9e: {  	_ =	swait.ge [sflag:s22], s20  }
0x9f: {  	s4 =	ssub.s32 $0x0, s20;
	[sflag:s22] =	ssyncset.done $0x0  }
0xa0: {  	[sflag:s22] =	ssyncadd.s32 s4;
	_ =	sdelay $0x1  }
0xa1: {  	s23 =	simm.s32 $0x1B8B  }
0xa2: {  	_ =	swait.ge [sflag:s23], $0x1  }
0xa3: {  	[sflag:s23] =	ssyncset.done $0x0  }
0xa4: {  	s25 =	simm.s32 $0x1B8E;
	s24 =	sld [smem:$0x3FFE];
	[sflag:s23] =	ssyncadd.s32 $0xFFFFFFFF  }
0xa5: {  	s26 =	simm.s32 $execute0_lowered;
	[smem:$0x3FD2] =	sst s25  }
0xa6: {  	s5 =	sshll.u32 s26, $0x1;
	_ =	strace $0x8000004C;
	[dreg:$0x1] =	wrdreg $0xFFFFFFFF  }
0xa7: {  	s28 =	simm.s32 $_size_execute0_lowered;
	s3 =	sadd.s32 s3, s5;
	[dreg:$0x0] =	wrdreg $0x0  }
0xa8: {  	s5 =	sshll.u32 s28, $0x1;
	[dreg:$0x2] =	wrdreg s3  }
0xa9: {  	[dreg:$0x3] =	wrdreg s5  }
0xaa: {  	[dreg:$0x4] =	wrdreg $0xC0  }
0xab: {  	_ =	task [dreg:s7], $0x5FFFF  }
0xac: {  	[dreg:$0x1] =	wrdreg $0xFFFFFFFF  }
0xad: {  	[dreg:$0x0] =	wrdreg $0x60  }
0xae: {  	[dreg:$0x2] =	wrdreg s24  }
0xaf: {  	[dreg:$0x3] =	wrdreg s2  }
0xb0: {  	[dreg:$0x4] =	wrdreg $0x140000  }
0xb1: {  	[dreg:$0x5] =	wrdreg $0x9  }
0xb2: {  	_ =	task.clear_ibuf [dreg:s7], $0x6FFFF;
	_ =	strace $0x9000004C  }
0xb3: {  	s29 =	simm.s32 $0x9;
	_ =	strace $0x8000004E  }
0xb4: {  	_ =	swait.ge [sflag:s29], $0x1  }
0xb5: {  	[sflag:s29] =	ssyncadd.s32 $0xFFFFFFFF  }
0xb6: {  	_ =	strace $0x9000004E  }
0xb7: {  	_ =	sfence  }
0xb8: {  	s30 =	sld [smem:$0x0];
	_ =	sdelay $0x2  }
0xb9: {  	s31 =	sshll.u32 s1, $0xD;
	s1 =	sshrl.u32 s1, $0x2  }
0xba: {  	s3 =	sand.u32 $0x4000, s31;
	s1 =	sadd.s32 s1, s30  }
0xbb: {  	s0 =	sor.u32 s3, s0;
	s1 =	sshll.u32 s1, $0x11  }
0xbc: {  	s0 =	sor.u32 s1, s0  }
0xbd: {  	s0 =	sadd.s32 $0x8F2B, s0  }
0xbe: {  	[sflag:s0] =	ssyncadd.remote.s32 $0x1  }
0xbf: {  	_ =	sfence.sel $0xFFFF  }
0xc0: {  	[dreg:$0x0] =	wrdreg $0xFFFFFFFF;
	(pc) =	sbr.abs _section_cstart, $3  }
0xc1: {  	[dreg:$0x1] =	wrdreg $0xFFFFFFFF  }
0xc2: {  	_ =	task.clear_ibuf [dreg:s7], $0x2FFFF;
	_ =	strace $0x9FFFFFFF  }
0xc3: {  	(tm) =	ssettm $0x7FFFFFFF  }
tec
execute0_lowered:
.L_overlay_start_1:
0x0: {  	(tag) =	ssettag $0x1  }
0x1: {  	s5 =	rddreg [dreg:$0x0]  }
0x2: {  	s0 =	srdreg.scid;
	s6 =	rddreg [dreg:$0x1]  }
0x3: {  	s2 =	rddreg [dreg:$0x2];
	s4 =	sand.u32 $0x1, s0  }
0x4: {  	s0 =	stileid.u32;
	s7 =	smul.u32 $0x14000, s4  }
0x5: {  	s1 =	rddreg [dreg:$0x3];
	s3 =	simm.s32 $0x0;
	s8 =	smul.u32 $0xA000, s0  }
0x6: {  	s14 =	simm.s32 $0x280;
	s15 =	simm.s32 $0xA000;
	s9 =	smul.u32 $0xA0000, s4  }
0x7: {  	s16 =	simm.s32 $0x0;
	[smem:$0x7FF] =	sst s3;
	s10 =	smul.u32 $0xA00, s0  }
0x8: {  	_ =	strace $0x8000004D;
	s12 =	ssub.s32 $0x2, s4;
	s4 =	sadd.s32 $0x2000, s5  }
0x9: {  	s31 =	sshll.u32 s0, $0x6;
	s30 =	sshrl.u32 s12, $0x1;
	s7 =	sadd.s32 s7, s5  }
0xa: {  	s9 =	sadd.s32 s8, s9;
	s11 =	sadd.s32 s10, s5;
	s12 =	ssub.s32 s12, s30  }
0xb: {  	s6 =	sadd.s32 s6, s10;
	s13 =	sadd.s32 s8, s2;
	s10 =	simm.s32 $0x1  }
0xc: {  	s9 =	sshrl.u32 s9, $0x3;
	s7 =	sadd.s32 $0x11600, s7;
	s13 =	sshrl.u32 s13, $0x3  }
0xd: {  	s9 =	sadd.s32 s9, s5;
	s5 =	sadd.s32 $0x7600, s11;
	s11 =	simm.s32 $0x5000  }
0xe: {  	s8 =	sadd.s32 $0x39600, s9;
	s9 =	smax.u32 s12, $0x1;
	s12 =	sor.u32 $0x1C01, s31  }
.LBB2_1:
0xf: {  	[tilespmem:s3], [sflag:$0x1] =	stream.linear.gather [hbm4b:s5+s3], $0x5000, $0x38;
	[tilespmem:$0x1E000] =	vst v63  }
0x10: {  	_ =	swait.ge [sflag:s10], $0x5000  }
0x11: {  	[sflag:s10] =	ssyncset.done $0x0  }
0x12: {  	[sflag:s10] =	ssyncadd.s32 $0xFFFFB000  }
0x13: {  	[tilespmem:s11], [sflag:$0x1] =	stream.linear.gather [hbm4b:s6+s3], $0x5000, $0x38;
	[tilespmem:$0x1E000] =	vst v63  }
0x14: {  	_ =	swait.ge [sflag:s10], $0x5000  }
0x15: {  	[sflag:s10] =	ssyncset.done $0x0  }
0x16: {  	[sflag:s10] =	ssyncadd.s32 $0xFFFFB000  }
0x17: {  	[spmem:s13], [sflag:s12] =	dma.local [hbm:s4], $0x1400  }
0x18: {  	_ =	swait.ge [sflag:s10], $0x1400  }
0x19: {  	[sflag:s10] =	ssyncset.done $0x0  }
0x1a: {  	[sflag:s10] =	ssyncadd.s32 $0xFFFFEC00  }
0x1b: {  	s17 =	simm.s32 $0x0;
	[bflag:$0x0] =	sbarrier.arrive $0xFFFF  }
0x1c: {  	[tilespmem:s15], [sflag:$0x1] =	stream.indirect.gather [hbm4b:s7+s14], $0x40, s17, s14, $0xb8;
	[tilespmem:$0x1E000] =	vst v63  }
0x1d: {  	_ =	swait.ge [sflag:s10], $0xA000  }
0x1e: {  	[sflag:s10] =	ssyncset.done $0x0  }
0x1f: {  	s31 =	simm.s32 $0x5000;
	[sflag:s10] =	ssyncadd.s32 $0xFFFF6000  }
0x20: {  	[spmem:s2] =	stream.indirect.scatter.add.f32 [tilespmem:s15], [sflag:$0x1], $0x40, s31, s14, $0xb8;
	[tilespmem:$0x1E000] =	vst v63  }
0x21: {  	_ =	swait.ge [sflag:s10], $0xA000  }
0x22: {  	s18 =	simm.s32 $0x1400;
	s17 =	simm.s32 $0xA00;
	[sflag:s10] =	ssyncset.done $0x0  }
.LBB2_2:
0x23: {  	s19 =	sshra.s32 s17, $0x2  }
0x24: {  	[sflag:s10] =	ssyncadd.s32 $0xFFFF6000;
	s17 =	smov.u32 s18;
	s20 =	sadd.s32 $0xA00, s18  }
0x25: {  	[tilespmem:s15], [sflag:$0x1] =	stream.indirect.gather [hbm4b:s7+s14], $0x40, s19, s14, $0xb8;
	[tilespmem:$0x1E000] =	vst v63  }
0x26: {  	p0 =	sne.s32 s18, $0x13600;
	_ =	swait.ge [sflag:s10], $0xA000  }
.Ltmp0:
0x27: {  	[sflag:s10] =	ssyncset.done $0x0;
	(pc) =	sbr.rel @p0 .LBB2_2-.Ltmp0, $4  }
0x28: {  	s18 =	sadd.s32 $0x5000, s19;
	[sflag:s10] =	ssyncadd.s32 $0xFFFF6000  }
0x29: {  	[spmem:s2] =	stream.indirect.scatter.add.f32 [tilespmem:s15], [sflag:$0x1], $0x40, s18, s14, $0xb8;
	[tilespmem:$0x1E000] =	vst v63  }
0x2a: {  	_ =	swait.ge [sflag:s10], $0xA000  }
0x2b: {  	s18 =	smov.u32 s20;
	[sflag:s10] =	ssyncset.done $0x0  }
0x2c: {  	s17 =	sshra.s32 s17, $0x2;
	[sflag:s10] =	ssyncadd.s32 $0xFFFF6000  }
0x2d: {  	[tilespmem:s15], [sflag:$0x1] =	stream.indirect.gather [hbm4b:s7+s14], $0x40, s17, s14, $0xb8;
	[tilespmem:$0x1E000] =	vst v63  }
0x2e: {  	_ =	swait.ge [sflag:s10], $0xA000  }
0x2f: {  	[sflag:s10] =	ssyncset.done $0x0  }
0x30: {  	s17 =	sadd.s32 $0x5000, s17;
	[sflag:s10] =	ssyncadd.s32 $0xFFFF6000  }
0x31: {  	[spmem:s2] =	stream.indirect.scatter.add.f32 [tilespmem:s15], [sflag:$0x1], $0x40, s17, s14, $0xb8;
	[tilespmem:$0x1E000] =	vst v63  }
0x32: {  	_ =	swait.ge [sflag:s10], $0xA000  }
0x33: {  	s16 =	sadd.s32 $0x1, s16;
	[sflag:s10] =	ssyncset.done $0x0  }
0x34: {  	p0 =	sne.s32 s16, s9;
	[sflag:s10] =	ssyncadd.s32 $0xFFFF6000  }
.Ltmp1:
0x35: {  	[bflag:$0x0] =	sbarrier.arrive $0xFFFF;
	(pc) =	sbr.rel @p0 .LBB2_1-.Ltmp1, $4  }
0x36: {  	[hbm:s8], [sflag:s12] =	dma.local [spmem:s13], $0x1400  }
0x37: {  	_ =	swait.ge [sflag:s10], $0x1400  }
0x38: {  	[sflag:s10] =	ssyncset.done $0x0  }
0x39: {  	[sflag:s10] =	ssyncadd.s32 $0xFFFFEC00  }
0x3a: {  	_ =	sfence.sel $0x180000  }
0x3b: {  	[bflag:$0x0] =	sbarrier.arrive $0xFFFF  }
0x3c: {  	p0 =	sne.s32 s0, $0x0;
	_ =	strace $0x9000004D  }
0x3d: {  	s0 =	sadd.s32 @!p0 $0x100000, s1;
	[bflag:$0x2] =	sbarrier.arrive $0xFFFF  }
0x3e: {  	[sflag:s0] =	ssyncadd.tile.s32 @!p0 $0x1;
	_ =	shalt  }
.Lfunc_end2:
_tile_overlayer_lowered:
.L_overlay_start_2:
0x3f: {  	(tag) =	ssettag $0x2  }
0x40: {  	s0 =	rddreg [dreg:$0x0];
	s2 =	stileid.u32  }
0x41: {  	s1 =	rddreg [dreg:$0x1];
	p0 =	sne.s32 s2, $0x0  }
0x42: {  	s3 =	rddreg [dreg:$0x2];
	[bflag:$0x3] =	sbarrier.arrive $0xFFFF;
	s2 =	simm.s32 @!p0 $0x1C01  }
0x43: {  	[timem:s3], [sflag:s2] =	dma.local @!p0 [hbm:s0], s1  }
0x44: {  	s0 =	simm.s32 @!p0 $0x1  }
0x45: {  	_ =	swait.ge @!p0 [sflag:s0], s1  }
0x46: {  	s1 =	ssub.s32 @!p0 $0x0, s1;
	[sflag:s0] =	ssyncset.done @!p0 $0x0  }
0x47: {  	[sflag:s0] =	ssyncadd.s32 @!p0 s1  }
0x48: {  	[bflag:$0x3] =	sbarrier.arrive $0xFFFF  }
0x49: {  	_ =	shalt  }

// kernel: kernel.19.cloned.1.call-start
scs
__scs_entry_jumppad:
0x0: {  	(pc) =	sbr.rel $0x88, $3  }
0x1: {  	(tag) =	ssettag $0x0;
	lr =	simm.s32 $0x1  }
0x2: {  	[smem:$0x3F99] =	sst lr;
	_ =	strace $0xD0000000  }
0x3: {  	_ = 	snop  }
0x4: {  	_ = 	snop  }
0x5: {  	_ = 	snop  }
0x6: {  	_ = 	snop  }
0x7: {  	_ = 	snop  }
__scs_overlays_trampoline_lowered:
0x8: {  	[smem:$0x3FA8] =	sst s0  }
0x9: {  	[smem:$0x3FA9] =	sst s1  }
0xa: {  	[smem:$0x3FAA] =	sst s2  }
0xb: {  	[smem:$0x3FAB] =	sst s3  }
0xc: {  	[smem:$0x3FAC] =	sst s4  }
0xd: {  	[smem:$0x3FAD] =	sst s5  }
0xe: {  	[smem:$0x3FAE] =	sst s6  }
0xf: {  	[smem:$0x3FAF] =	sst s7  }
0x10: {  	[smem:$0x3FB0] =	sst s8  }
0x11: {  	[smem:$0x3FB1] =	sst s9;
	s0 =	simm.s32 @!p0 $0x0  }
0x12: {  	s1 =	sld [smem:$0x3F97];
	s0 =	simm.s32 @p0 $0x1  }
0x13: {  	[smem:$0x3FB2] =	sst s0;
	s0 =	simm.s32 @!p1 $0x0  }
0x14: {  	s2 =	sld [smem:$0x3F96];
	s0 =	simm.s32 @p1 $0x1  }
0x15: {  	[smem:$0x3FB3] =	sst s0;
	s0 =	simm.s32 @!p2 $0x0  }
0x16: {  	s3 =	sld [smem:$0x3FDB];
	s0 =	simm.s32 @p2 $0x1  }
0x17: {  	s4 =	simm.s32 $0x1BF5;
	[smem:$0x3FB5] =	sst s0  }
0x18: {  	s0 =	sld [smem:$0x3F98];
	_ =	swait.ge [sflag:s4], $0x0  }
0x19: {  	s7 =	sld [smem:$0x3F99]  }
0x1a: {  	s8 =	sadd.s32 $0xFFFFE003, lr  }
0x1b: {  	s9 =	sadd.s32 $0xFFFFFEF7, lr;
	s5 =	simm.s32 $0xFFFFFFFF;
	p2 =	slt.u32 s8, $0xFFFFF086  }
0x1c: {  	p1 =	slt.u32 s9, $0xF7A;
	s5 =	simm.s32 @!p2 $0x0  }
0x1d: {  	s5 =	simm.s32 @p1 $0x1;
	p0 =	seq.s32 s7, s2  }
0x1e: {  	s7 =	smul.u32 @!p0 $0xF7A, s2;
	p2 =	seq.s32 @!p0 s5, $0x0  }
0x1f: {  	s9 =	smul.u32 $0xF7A, s1;
	s8 =	simm.s32 @!p0 $0x1BF5;
	p2 =	por !p2, p0  }
0x20: {  	[sflag:s8] =	ssyncset.s32 @!p0 $0xFFFFF086;
	s6 =	sadd.s32 @!p0 s3, s7;
	s7 =	simm.s32 @!p0 $0x108  }
0x21: {  	s3 =	sadd.s32 s3, s9;
	s6 =	sadd.s32 @!p0 $0x88, s6;
	s7 =	simm.s32 @p2 $0x1082  }
0x22: {  	[simem:s7], [sflag:s8] =	dma.local @!p0 [hbm:s6], $0xF7A  }
0x23: {  	s9 =	sor.u32 $0xD0000000, s2;
	s6 =	simm.s32 $0x108;
	_ =	swait.ge @!p0 [sflag:s8], $0x0  }
0x24: {  	s3 =	sadd.s32 $0x88, s3;
	s6 =	simm.s32 @!p1 $0x1082;
	[sflag:s4] =	ssyncset.s32 $0xFFFFF086  }
0x25: {  	[simem:s6], [sflag:s4] =	dma.local [hbm:s3], $0xF7A  }
0x26: {  	[smem:$0x3F99] =	sst s1;
	(tag) =	ssettag s2;
	_ =	strace s9  }
0x27: {  	s1 =	sld [smem:$0x3FA9]  }
0x28: {  	s2 =	sld [smem:$0x3FAA]  }
0x29: {  	s4 =	sld [smem:$0x3FAC]  }
0x2a: {  	p0 =	seq.s32 s5, $0x0;
	s5 =	sld [smem:$0x3FAD]  }
0x2b: {  	s6 =	sld [smem:$0x3FAE]  }
0x2c: {  	s7 =	sld [smem:$0x3FAF]  }
0x2d: {  	s3 =	simm.s32 $0x108;
	s8 =	sld [smem:$0x3FB0]  }
0x2e: {  	s3 =	simm.s32 @!p0 $0x1082;
	s9 =	sld [smem:$0x3FB1]  }
0x2f: {  	lr =	sadd.s32 s0, s3;
	s0 =	sld [smem:$0x3FA8]  }
0x30: {  	s3 =	sld [smem:$0x3FAB]  }
0x31: {  	[smem:$0x3FB4] =	sst s10  }
0x32: {  	s10 =	sld [smem:$0x3FB2];
	_ =	sdelay $0x3  }
0x33: {  	p0 =	seq.s32 s10, $0x1;
	s10 =	sld [smem:$0x3FB4];
	_ =	sdelay $0x3  }
0x34: {  	[smem:$0x3FB4] =	sst s10  }
0x35: {  	s10 =	sld [smem:$0x3FB3];
	_ =	sdelay $0x3  }
0x36: {  	p1 =	seq.s32 s10, $0x1;
	s10 =	sld [smem:$0x3FB4];
	_ =	sdelay $0x3  }
0x37: {  	[smem:$0x3FB4] =	sst s10  }
0x38: {  	s10 =	sld [smem:$0x3FB5]  }
0x39: {  	_ = 	snop;
	(pc) =	sbr.ind lr, $3  }
0x3a: {  	_ = 	snop  }
0x3b: {  	_ = 	snop  }
0x3c: {  	p2 =	seq.s32 s10, $0x1;
	s10 =	sld [smem:$0x3FB4]  }
0x3d: {  	_ =	shalt  }
0x3e: {  	_ =	shalt  }
0x3f: {  	_ =	shalt  }
0x40: {  	_ =	shalt  }
0x41: {  	_ =	shalt  }
0x42: {  	_ =	shalt  }
0x43: {  	_ =	shalt  }
0x44: {  	_ =	shalt  }
0x45: {  	_ =	shalt  }
0x46: {  	_ =	shalt  }
0x47: {  	_ =	shalt  }
0x48: {  	_ =	shalt  }
0x49: {  	_ =	shalt  }
0x4a: {  	_ =	shalt  }
0x4b: {  	_ =	shalt  }
0x4c: {  	_ =	shalt  }
0x4d: {  	_ =	shalt  }
0x4e: {  	_ =	shalt  }
0x4f: {  	_ =	shalt  }
0x50: {  	_ =	shalt  }
0x51: {  	_ =	shalt  }
0x52: {  	_ =	shalt  }
0x53: {  	_ =	shalt  }
0x54: {  	_ =	shalt  }
0x55: {  	_ =	shalt  }
0x56: {  	_ =	shalt  }
0x57: {  	_ =	shalt  }
0x58: {  	_ =	shalt  }
0x59: {  	_ =	shalt  }
0x5a: {  	_ =	shalt  }
0x5b: {  	_ =	shalt  }
0x5c: {  	_ =	shalt  }
0x5d: {  	_ =	shalt  }
0x5e: {  	_ =	shalt  }
0x5f: {  	_ =	shalt  }
0x60: {  	_ =	shalt  }
0x61: {  	_ =	shalt  }
0x62: {  	_ =	shalt  }
0x63: {  	_ =	shalt  }
0x64: {  	_ =	shalt  }
0x65: {  	_ =	shalt  }
0x66: {  	_ =	shalt  }
0x67: {  	_ =	shalt  }
0x68: {  	_ =	shalt  }
0x69: {  	_ =	shalt  }
0x6a: {  	_ =	shalt  }
0x6b: {  	_ =	shalt  }
0x6c: {  	_ =	shalt  }
0x6d: {  	_ =	shalt  }
0x6e: {  	_ =	shalt  }
0x6f: {  	_ =	shalt  }
0x70: {  	_ =	shalt  }
0x71: {  	_ =	shalt  }
0x72: {  	_ =	shalt  }
0x73: {  	_ =	shalt  }
0x74: {  	_ =	shalt  }
0x75: {  	_ =	shalt  }
0x76: {  	_ =	shalt  }
0x77: {  	_ =	shalt  }
0x78: {  	_ =	shalt  }
0x79: {  	_ =	shalt  }
0x7a: {  	_ =	shalt  }
0x7b: {  	_ =	shalt  }
0x7c: {  	_ =	shalt  }
0x7d: {  	_ =	shalt  }
0x7e: {  	_ =	shalt  }
0x7f: {  	_ =	shalt  }
0x80: {  	_ =	shalt  }
0x81: {  	_ =	shalt  }
0x82: {  	_ =	shalt  }
0x83: {  	_ =	shalt  }
0x84: {  	_ =	shalt  }
0x85: {  	_ =	shalt  }
0x86: {  	_ =	shalt  }
0x87: {  	_ =	shalt  }
.Lfunc_end0:
.L_simem_size_0:
called_computation.3_lowered:
.L_overlay_start_0:
0x88: {  	s2 =	sld [smem:$0x3FD9]  }
0x89: {  	s3 =	sld [smem:$0x3FFE];
	_ =	sdelay $0x1  }
0x8a: {  	s1 =	srdreg.scid  }
0x8b: {  	s0 =	sand.u32 $0x1, s1  }
0x8c: {  	s17 =	sshll.u32 s0, $0xA;
	s2 =	sadd.s32 s3, s2  }
0x8d: {  	s2 =	sadd.s32 s2, s17  }
0x8e: {  	[smem:$0x3FC0] =	sst s2  }
0x8f: {  	_ = 	snop  }
0x90: {  	s2 =	sld [smem:$0x3FD0];
	(tm) =	ssettm $0x1  }
0x91: {  	s18 =	sld [smem:$0x3FFB];
	_ =	sdelay $0x3  }
0x92: {  	_ =	strace s18  }
0x93: {  	s3 =	sld [smem:$0x3FFC];
	_ =	sdelay $0x3  }
0x94: {  	_ =	strace s3  }
0x95: {  	s3 =	sld [smem:$0x3FFD];
	_ =	sdelay $0x3  }
0x96: {  	_ =	strace s3  }
0x97: {  	_ =	strace $0x8FFFFFFF  }
0x98: {  	s19 =	sld [smem:$0x3FDB];
	_ =	sdelay $0x1  }
0x99: {  	s4 =	simm.s32 $_scs_section_size  }
0x9a: {  	s5 =	simm.s32 $_size__tile_overlayer_lowered;
	s6 =	simm.s32 $_tile_overlayer_lowered  }
0x9b: {  	s22 =	simm.s32 $0x1BFF;
	s21 =	sshll.u32 s6, $0x1;
	s3 =	sadd.s32 s4, s19  }
0x9c: {  	s7 =	simm.s32 $0x0;
	s20 =	sshll.u32 s5, $0x1;
	s5 =	sadd.s32 s21, s3  }
0x9d: {  	[timem:s7], [sflag:s22] =	dma.local [hbm:s5], s20  }
0x9e: {  	_ =	swait.ge [sflag:s22], s20  }
0x9f: {  	s4 =	ssub.s32 $0x0, s20;
	[sflag:s22] =	ssyncset.done $0x0  }
0xa0: {  	[sflag:s22] =	ssyncadd.s32 s4;
	_ =	sdelay $0x1  }
0xa1: {  	s23 =	simm.s32 $0x1B8B  }
0xa2: {  	_ =	swait.ge [sflag:s23], $0x1  }
0xa3: {  	[sflag:s23] =	ssyncset.done $0x0  }
0xa4: {  	s25 =	simm.s32 $0x1B8E;
	s24 =	sld [smem:$0x3FFE];
	[sflag:s23] =	ssyncadd.s32 $0xFFFFFFFF  }
0xa5: {  	s26 =	simm.s32 $execute0_lowered;
	[smem:$0x3FD2] =	sst s25  }
0xa6: {  	s5 =	sshll.u32 s26, $0x1;
	_ =	strace $0x8000004F;
	[dreg:$0x1] =	wrdreg $0xFFFFFFFF  }
0xa7: {  	s28 =	simm.s32 $_size_execute0_lowered;
	s3 =	sadd.s32 s3, s5;
	[dreg:$0x0] =	wrdreg $0x0  }
0xa8: {  	s5 =	sshll.u32 s28, $0x1;
	[dreg:$0x2] =	wrdreg s3  }
0xa9: {  	[dreg:$0x3] =	wrdreg s5  }
0xaa: {  	[dreg:$0x4] =	wrdreg $0xC0  }
0xab: {  	_ =	task [dreg:s7], $0x5FFFF  }
0xac: {  	[dreg:$0x1] =	wrdreg $0xFFFFFFFF  }
0xad: {  	[dreg:$0x0] =	wrdreg $0x60  }
0xae: {  	[dreg:$0x2] =	wrdreg s24  }
0xaf: {  	[dreg:$0x3] =	wrdreg s2  }
0xb0: {  	[dreg:$0x4] =	wrdreg $0x140000  }
0xb1: {  	[dreg:$0x5] =	wrdreg $0x9  }
0xb2: {  	_ =	task.clear_ibuf [dreg:s7], $0x6FFFF;
	_ =	strace $0x9000004F  }
0xb3: {  	s29 =	simm.s32 $0x9;
	_ =	strace $0x80000051  }
0xb4: {  	_ =	swait.ge [sflag:s29], $0x1  }
0xb5: {  	[sflag:s29] =	ssyncadd.s32 $0xFFFFFFFF  }
0xb6: {  	_ =	strace $0x90000051  }
0xb7: {  	_ =	sfence  }
0xb8: {  	s30 =	sld [smem:$0x0];
	_ =	sdelay $0x2  }
0xb9: {  	s31 =	sshll.u32 s1, $0xD;
	s1 =	sshrl.u32 s1, $0x2  }
0xba: {  	s3 =	sand.u32 $0x4000, s31;
	s1 =	sadd.s32 s1, s30  }
0xbb: {  	s0 =	sor.u32 s3, s0;
	s1 =	sshll.u32 s1, $0x11  }
0xbc: {  	s0 =	sor.u32 s1, s0  }
0xbd: {  	s0 =	sadd.s32 $0x8F2B, s0  }
0xbe: {  	[sflag:s0] =	ssyncadd.remote.s32 $0x1  }
0xbf: {  	_ =	sfence.sel $0xFFFF  }
0xc0: {  	[dreg:$0x0] =	wrdreg $0xFFFFFFFF;
	(pc) =	sbr.abs _section_cstart, $3  }
0xc1: {  	[dreg:$0x1] =	wrdreg $0xFFFFFFFF  }
0xc2: {  	_ =	task.clear_ibuf [dreg:s7], $0x2FFFF;
	_ =	strace $0x9FFFFFFF  }
0xc3: {  	(tm) =	ssettm $0x7FFFFFFF  }
tec
execute0_lowered:
.L_overlay_start_1:
0x0: {  	(tag) =	ssettag $0x1  }
0x1: {  	s5 =	rddreg [dreg:$0x0]  }
0x2: {  	s0 =	srdreg.scid;
	s6 =	rddreg [dreg:$0x1]  }
0x3: {  	s2 =	rddreg [dreg:$0x2];
	s4 =	sand.u32 $0x1, s0  }
0x4: {  	s0 =	stileid.u32;
	s7 =	smul.u32 $0xA000, s4  }
0x5: {  	s1 =	rddreg [dreg:$0x3];
	s3 =	simm.s32 $0x0;
	s8 =	smul.u32 $0x5000, s0  }
0x6: {  	s14 =	simm.s32 $0x500;
	s15 =	simm.s32 $0xA000;
	s9 =	smul.u32 $0x50000, s4  }
0x7: {  	s16 =	simm.s32 $0x0;
	[smem:$0x7FF] =	sst s3;
	s10 =	smul.u32 $0xA00, s0  }
0x8: {  	_ =	strace $0x80000050;
	s12 =	ssub.s32 $0x2, s4;
	s4 =	sadd.s32 $0x2000, s5  }
0x9: {  	s31 =	sshll.u32 s0, $0x6;
	s30 =	sshrl.u32 s12, $0x1;
	s7 =	sadd.s32 s7, s5  }
0xa: {  	s9 =	sadd.s32 s8, s9;
	s11 =	sadd.s32 s10, s5;
	s12 =	ssub.s32 s12, s30  }
0xb: {  	s6 =	sadd.s32 s6, s10;
	s13 =	sadd.s32 s8, s2;
	s10 =	simm.s32 $0x1  }
0xc: {  	s9 =	sshrl.u32 s9, $0x3;
	s7 =	sadd.s32 $0x11600, s7;
	s13 =	sshrl.u32 s13, $0x3  }
0xd: {  	s9 =	sadd.s32 s9, s5;
	s5 =	sadd.s32 $0x7600, s11;
	s11 =	simm.s32 $0x5000  }
0xe: {  	s8 =	sadd.s32 $0x25600, s9;
	s9 =	smax.u32 s12, $0x1;
	s12 =	sor.u32 $0x1C01, s31  }
.LBB2_1:
0xf: {  	[tilespmem:s3], [sflag:$0x1] =	stream.linear.gather [hbm4b:s5+s3], $0x5000, $0x38;
	[tilespmem:$0x19000] =	vst v63  }
0x10: {  	_ =	swait.ge [sflag:s10], $0x5000  }
0x11: {  	[sflag:s10] =	ssyncset.done $0x0  }
0x12: {  	[sflag:s10] =	ssyncadd.s32 $0xFFFFB000  }
0x13: {  	[tilespmem:s11], [sflag:$0x1] =	stream.linear.gather [hbm4b:s6+s3], $0x5000, $0x38;
	[tilespmem:$0x19000] =	vst v63  }
0x14: {  	_ =	swait.ge [sflag:s10], $0x5000  }
0x15: {  	[sflag:s10] =	ssyncset.done $0x0  }
0x16: {  	[sflag:s10] =	ssyncadd.s32 $0xFFFFB000  }
0x17: {  	[spmem:s13], [sflag:s12] =	dma.local [hbm:s4], $0xA00  }
0x18: {  	_ =	swait.ge [sflag:s10], $0xA00  }
0x19: {  	[sflag:s10] =	ssyncset.done $0x0  }
0x1a: {  	[sflag:s10] =	ssyncadd.s32 $0xFFFFF600  }
0x1b: {  	s17 =	simm.s32 $0x0;
	[bflag:$0x0] =	sbarrier.arrive $0xFFFF  }
0x1c: {  	[tilespmem:s15], [sflag:$0x1] =	stream.indirect.gather [hbm4b:s7+s14], $0x20, s17, s14, $0xb8;
	[tilespmem:$0x19000] =	vst v63  }
0x1d: {  	_ =	swait.ge [sflag:s10], $0xA000  }
0x1e: {  	[sflag:s10] =	ssyncset.done $0x0  }
0x1f: {  	s31 =	simm.s32 $0x5000;
	[sflag:s10] =	ssyncadd.s32 $0xFFFF6000  }
0x20: {  	[spmem:s2] =	stream.indirect.scatter.add.f32 [tilespmem:s15], [sflag:$0x1], $0x20, s31, s14, $0xb8;
	[tilespmem:$0x19000] =	vst v63  }
0x21: {  	_ =	swait.ge [sflag:s10], $0xA000  }
0x22: {  	s18 =	simm.s32 $0x2800;
	s17 =	simm.s32 $0x1400;
	[sflag:s10] =	ssyncset.done $0x0  }
.LBB2_2:
0x23: {  	s19 =	sshra.s32 s17, $0x2  }
0x24: {  	[sflag:s10] =	ssyncadd.s32 $0xFFFF6000;
	s17 =	smov.u32 s18;
	s20 =	sadd.s32 $0x1400, s18  }
0x25: {  	[tilespmem:s15], [sflag:$0x1] =	stream.indirect.gather [hbm4b:s7+s14], $0x20, s19, s14, $0xb8;
	[tilespmem:$0x19000] =	vst v63  }
0x26: {  	p0 =	sne.s32 s18, $0x12C00;
	_ =	swait.ge [sflag:s10], $0xA000  }
.Ltmp0:
0x27: {  	[sflag:s10] =	ssyncset.done $0x0;
	(pc) =	sbr.rel @p0 .LBB2_2-.Ltmp0, $4  }
0x28: {  	s18 =	sadd.s32 $0x5000, s19;
	[sflag:s10] =	ssyncadd.s32 $0xFFFF6000  }
0x29: {  	[spmem:s2] =	stream.indirect.scatter.add.f32 [tilespmem:s15], [sflag:$0x1], $0x20, s18, s14, $0xb8;
	[tilespmem:$0x19000] =	vst v63  }
0x2a: {  	_ =	swait.ge [sflag:s10], $0xA000  }
0x2b: {  	s18 =	smov.u32 s20;
	[sflag:s10] =	ssyncset.done $0x0  }
0x2c: {  	s17 =	sshra.s32 s17, $0x2;
	[sflag:s10] =	ssyncadd.s32 $0xFFFF6000  }
0x2d: {  	[tilespmem:s15], [sflag:$0x1] =	stream.indirect.gather [hbm4b:s7+s14], $0x20, s17, s14, $0xb8;
	[tilespmem:$0x19000] =	vst v63  }
0x2e: {  	_ =	swait.ge [sflag:s10], $0xA000  }
0x2f: {  	[sflag:s10] =	ssyncset.done $0x0  }
0x30: {  	s17 =	sadd.s32 $0x5000, s17;
	[sflag:s10] =	ssyncadd.s32 $0xFFFF6000  }
0x31: {  	[spmem:s2] =	stream.indirect.scatter.add.f32 [tilespmem:s15], [sflag:$0x1], $0x20, s17, s14, $0xb8;
	[tilespmem:$0x19000] =	vst v63  }
0x32: {  	_ =	swait.ge [sflag:s10], $0xA000  }
0x33: {  	s16 =	sadd.s32 $0x1, s16;
	[sflag:s10] =	ssyncset.done $0x0  }
0x34: {  	p0 =	sne.s32 s16, s9;
	[sflag:s10] =	ssyncadd.s32 $0xFFFF6000  }
.Ltmp1:
0x35: {  	[bflag:$0x0] =	sbarrier.arrive $0xFFFF;
	(pc) =	sbr.rel @p0 .LBB2_1-.Ltmp1, $4  }
0x36: {  	[hbm:s8], [sflag:s12] =	dma.local [spmem:s13], $0xA00  }
0x37: {  	_ =	swait.ge [sflag:s10], $0xA00  }
0x38: {  	[sflag:s10] =	ssyncset.done $0x0  }
0x39: {  	[sflag:s10] =	ssyncadd.s32 $0xFFFFF600  }
0x3a: {  	_ =	sfence.sel $0x180000  }
0x3b: {  	[bflag:$0x0] =	sbarrier.arrive $0xFFFF  }
0x3c: {  	p0 =	sne.s32 s0, $0x0;
	_ =	strace $0x90000050  }
0x3d: {  	s0 =	sadd.s32 @!p0 $0x100000, s1;
	[bflag:$0x2] =	sbarrier.arrive $0xFFFF  }
0x3e: {  	[sflag:s0] =	ssyncadd.tile.s32 @!p0 $0x1;
	_ =	shalt  }
.Lfunc_end2:
_tile_overlayer_lowered:
.L_overlay_start_2:
0x3f: {  	(tag) =	ssettag $0x2  }
0x40: {  	s0 =	rddreg [dreg:$0x0];
	s2 =	stileid.u32  }
0x41: {  	s1 =	rddreg [dreg:$0x1];
	p0 =	sne.s32 s2, $0x0  }
0x42: {  	s3 =	rddreg [dreg:$0x2];
	[bflag:$0x3] =	sbarrier.arrive $0xFFFF;
	s2 =	simm.s32 @!p0 $0x1C01  }
0x43: {  	[timem:s3], [sflag:s2] =	dma.local @!p0 [hbm:s0], s1  }
0x44: {  	s0 =	simm.s32 @!p0 $0x1  }
0x45: {  	_ =	swait.ge @!p0 [sflag:s0], s1  }
0x46: {  	s1 =	ssub.s32 @!p0 $0x0, s1;
	[sflag:s0] =	ssyncset.done @!p0 $0x0  }
0x47: {  	[sflag:s0] =	ssyncadd.s32 @!p0 s1  }
0x48: {  	[bflag:$0x3] =	sbarrier.arrive $0xFFFF  }
0x49: {  	_ =	shalt  }

</sc_bundles>
